<compile_context>
chip_gen: v7x
topology: tpu7x:2x2x1
jax: 0.10.2.dev20260603
libtpu: 0.0.44.dev20260713+nightly
codegen_flags: <defaults>
</compile_context>

<pallas_src>
import functools

import jax
import jax.numpy as jnp
from jax import lax
from jax.experimental import pallas as pl
from jax.experimental.pallas import tpu as pltpu
from jax.experimental.pallas import tpu_sc as plsc

_B = 4096
_P = 361
_D = 128
_N = _B * _P

_NC = 2
_NS = 16
_NW = _NC * _NS
_NL = _N // _NW
_CH = 128
_GPW = _NL // _CH
_K = 3
_NBLK = (_GPW // (2 * _K)) * 2
_BCH = _K * _CH


def _sc_gather_kernel(boards_hbm, tab_hbm, out_hbm,
                      tab_sp, bblk_v, idx_a, idx_b, rows_a, rows_b,
                      gsem_a, gsem_b, wsem_a, wsem_b):
    sid = lax.axis_index("s")
    wid = sid * _NC + lax.axis_index("c")
    base = wid * _NL
    lane = lax.iota(jnp.int32, 16)

    @pl.when(sid == 0)
    def _():
        pltpu.sync_copy(tab_hbm, tab_sp)
    plsc.subcore_barrier()

    def compute_idx(idx_ref, c, g):
        for j in range(_CH // 16):
            l = g * _CH + j * 16 + lane
            pos = lax.rem(l, _P)
            idx_ref[c, pl.ds(j * 16, 16)] = (
                pos * 3 + bblk_v[pl.ds(c * _CH + j * 16, 16)])

    def do_block(blk_id, idx_ref, rows_ref, gsem, wsem, s):
        off0 = base + blk_id * _BCH

        @pl.when(s > 0)
        def _():
            pltpu.make_async_copy(
                rows_ref, out_hbm.at[pl.ds(0, _BCH)], wsem).wait()

        pltpu.sync_copy(boards_hbm.at[pl.ds(off0, _BCH)], bblk_v)
        handles = []
        for c in range(_K):
            compute_idx(idx_ref, c, blk_id * _K + c)
            handles.append(pltpu.async_copy(
                tab_sp.at[idx_ref.at[c]],
                rows_ref.at[pl.ds(c * _CH, _CH)], gsem))
        for h in handles:
            h.wait()
        pltpu.async_copy(rows_ref, out_hbm.at[pl.ds(off0, _BCH)], wsem)

    def body(s, carry):
        do_block(2 * s, idx_a, rows_a, gsem_a, wsem_a, s)
        do_block(2 * s + 1, idx_b, rows_b, gsem_b, wsem_b, s)
        return carry

    lax.fori_loop(0, _NBLK // 2, body, 0)

    pltpu.make_async_copy(rows_a, out_hbm.at[pl.ds(0, _BCH)], wsem_a).wait()
    pltpu.make_async_copy(rows_b, out_hbm.at[pl.ds(0, _BCH)], wsem_b).wait()

    offt = base + _NBLK * _BCH
    pltpu.sync_copy(boards_hbm.at[pl.ds(offt, _CH)],
                    bblk_v.at[pl.ds(0, _CH)])
    compute_idx(idx_a, 0, _NBLK * _K)
    pltpu.async_copy(tab_sp.at[idx_a.at[0]],
                     rows_a.at[pl.ds(0, _CH)], gsem_a).wait()
    pltpu.sync_copy(rows_a.at[pl.ds(0, _CH)], out_hbm.at[pl.ds(offt, _CH)])


@jax.jit
def _lookup(boards_flat, table):
    mesh = plsc.VectorSubcoreMesh(core_axis_name="c", subcore_axis_name="s")
    f = functools.partial(
        pl.kernel,
        mesh=mesh,
        out_type=jax.ShapeDtypeStruct((_N, _D), jnp.float32),
        scratch_types=[
            pltpu.VMEM_SHARED((_P * 3, _D), jnp.float32),
            pltpu.VMEM((_BCH,), jnp.int32),
            pltpu.VMEM((_K, _CH), jnp.int32),
            pltpu.VMEM((_K, _CH), jnp.int32),
            pltpu.VMEM((_BCH, _D), jnp.float32),
            pltpu.VMEM((_BCH, _D), jnp.float32),
            pltpu.SemaphoreType.DMA,
            pltpu.SemaphoreType.DMA,
            pltpu.SemaphoreType.DMA,
            pltpu.SemaphoreType.DMA,
        ],
    )(_sc_gather_kernel)
    return f(boards_flat, table)


def kernel(boards, embeddings):
    boards_flat = boards.reshape(_N)
    table = embeddings.reshape(_P * 3, _D)
    out = _lookup(boards_flat, table)
    return out.reshape(_B, _P, _D)

# --- scband reference (transcript-rebuilt; emitter-appended) ---
"""Pipeline reference for scband-player-embedding-7653631722169 (READ-ONLY COPY).

The authoritative reference and input builder live on the scoring server;
editing this copy changes nothing except your own understanding.
"""

import jax, jax.numpy as jnp
import numpy as np

STONE_NUM = 361
DIM = 128
BATCH = 4096


def setup_inputs(seed: int = 0) -> dict:
    key = jax.random.key(seed)
    k1, k2 = jax.random.split(key)
    # boards: per-position stone state in {0,1,2} (empty/black/white)
    boards = jax.random.randint(k1, (BATCH, STONE_NUM), 0, 3, dtype=jnp.int32)
    # learned buffer: per-position, per-state embedding, L2-normalized along last dim
    emb = jax.random.normal(k2, (STONE_NUM, 3, DIM), dtype=jnp.float32)
    emb = emb / jnp.sqrt(jnp.sum(emb * emb, axis=-1, keepdims=True) + 1e-12)
    return {"boards": boards, "embeddings": emb}


def reference(boards, embeddings):
    # Faithful translation of the torch forward:
    #   for each board, gather embeddings[pos, stone_state[pos], :]
    # torch.gather(embeddings, 1, stones) with stones repeated over dim is
    # exactly emb[pos, board[pos], :]; stacked over batch -> [B, STONE_NUM, DIM].
    pos = jnp.arange(embeddings.shape[0])[None, :]  # [1, STONE_NUM]
    out = embeddings[pos, boards, :]                 # [B, STONE_NUM, DIM]
    return out

if __name__ == "__main__":
    import jax
    _d = setup_inputs()
    print(jax.jit(kernel)(*tuple(_d.values())))

</pallas_src>

<mosaic_0001>
#map = affine_map<(d0, d1) -> (0)>
#map1 = affine_map<(d0, d1) -> (0, 0)>
module attributes {stable_mosaic.version = 14 : i64} {
  func.func @_sc_gather_kernel(%arg0: i32, %arg1: i32, %arg2: memref<1478656xi32, #tpu.memory_space<hbm>>, %arg3: memref<1083x128xf32, #tpu.memory_space<hbm>>, %arg4: memref<1478656x128xf32, #tpu.memory_space<hbm>>, %arg5: memref<1083x128xf32, #tpu.memory_space<vmem_shared>>, %arg6: memref<384xi32, #tpu.memory_space<vmem>>, %arg7: memref<3x128xi32, #tpu.memory_space<vmem>>, %arg8: memref<3x128xi32, #tpu.memory_space<vmem>>, %arg9: memref<384x128xf32, #tpu.memory_space<vmem>>, %arg10: memref<384x128xf32, #tpu.memory_space<vmem>>, %arg11: memref<!tpu.dma_semaphore, #tpu.memory_space<semaphore_mem>>, %arg12: memref<!tpu.dma_semaphore, #tpu.memory_space<semaphore_mem>>, %arg13: memref<!tpu.dma_semaphore, #tpu.memory_space<semaphore_mem>>, %arg14: memref<!tpu.dma_semaphore, #tpu.memory_space<semaphore_mem>>) attributes {dimension_semantics = [#tpu.dimension_semantics<core_parallel>, #tpu.dimension_semantics<subcore_parallel>], iteration_bounds = array<i64: 2, 16>, scalar_prefetch = 0 : i64, scratch_operands = 10 : i64, tpu.core_type = #tpu.core_type<sc_vector_subcore>, window_params = [{transform_indices = #map}, {transform_indices = #map1}, {transform_indices = #map1}]} {
    %mul3A = arith.constant 2 : i32
    %mul3A_0 = arith.muli %arg1, %mul3A : i32
    %add3A = arith.addi %mul3A_0, %arg0 : i32
    %mul3A_1 = arith.constant 46208 : i32
    %mul3A_2 = arith.muli %add3A, %mul3A_1 : i32
    %iota3A = tpu.iota {dimensions = array<i32: 0>} : vector<16xi32>
    %eq3A = arith.constant 0 : i32
    %eq3A_3 = arith.cmpi eq, %arg1, %eq3A : i32
    %convert_element_type3A = arith.extui %eq3A_3 : i1 to i32
    %cond3A = arith.constant 0 : i32
    %cond3A_4 = arith.cmpi ne, %convert_element_type3A, %cond3A : i32
    scf.if %cond3A_4 {
      "tpu.region"() ({
        %run_scoped3A = tpu.sem_alloc : memref<!tpu.dma_semaphore, #tpu.memory_space<semaphore_mem>>
        tpu.enqueue_dma source(%arg3 : memref<1083x128xf32, #tpu.memory_space<hbm>>) target(%arg5 : memref<1083x128xf32, #tpu.memory_space<vmem_shared>>) target_semaphore(%run_scoped3A : memref<!tpu.dma_semaphore, #tpu.memory_space<semaphore_mem>>)
        tpu.wait_dma2 semaphore(%run_scoped3A : memref<!tpu.dma_semaphore, #tpu.memory_space<semaphore_mem>>) src(%arg3 : memref<1083x128xf32, #tpu.memory_space<hbm>>) dst(%arg5 : memref<1083x128xf32, #tpu.memory_space<vmem_shared>>)
        tpu.yield
      }) : () -> ()
    } else {
    }
    %barrier3A = arith.constant 0 : index
    tpu.barrier barrier_id(%barrier3A)
    %scan3A = arith.constant 0 : i32
    %scan3A_5 = arith.constant 0 : i32
    %scan3A_6 = arith.constant 60 : i32
    %scan3A_7 = arith.addi %scan3A_5, %scan3A_6 : i32
    %scan3A_8 = arith.constant 1 : i32
    scf.for %scan3A_191 = %scan3A_5 to %scan3A_7 step %scan3A_8  : i32 {
      %mul3A_192 = arith.constant 2 : i32
      %mul3A_193 = arith.muli %mul3A_192, %scan3A_191 : i32
      %mul3A_194 = arith.constant 384 : i32
      %mul3A_195 = arith.muli %mul3A_193, %mul3A_194 : i32
      %add3A_196 = arith.addi %mul3A_2, %mul3A_195 : i32
      %gt3A = arith.constant 0 : i32
      %gt3A_197 = arith.cmpi sgt, %scan3A_191, %gt3A : i32
      %convert_element_type3A_198 = arith.extui %gt3A_197 : i1 to i32
      %cond3A_199 = arith.constant 0 : i32
      %cond3A_200 = arith.cmpi ne, %convert_element_type3A_198, %cond3A_199 : i32
      scf.if %cond3A_200 {
        %dma_wait3A_1421 = arith.constant 0 : i32
        %dma_wait3A_1422 = arith.constant 0 : i32
        %dma_wait3A_1423 = tpu.memref_slice %arg4[%dma_wait3A_1421, %dma_wait3A_1422] : memref<1478656x128xf32, #tpu.memory_space<hbm>> -> memref<384x128xf32, #tpu.memory_space<hbm>>
        %dma_wait3A_1424 = arith.constant 0 : i32
        %dma_wait3A_1425 = arith.constant 0 : i32
        %dma_wait3A_1426 = tpu.memref_slice %arg4[%dma_wait3A_1424, %dma_wait3A_1425] : memref<1478656x128xf32, #tpu.memory_space<hbm>> -> memref<384x128xf32, #tpu.memory_space<hbm>>
        tpu.wait_dma2 semaphore(%arg13 : memref<!tpu.dma_semaphore, #tpu.memory_space<semaphore_mem>>) src(%arg9 : memref<384x128xf32, #tpu.memory_space<vmem>>) dst(%dma_wait3A_1426 : memref<384x128xf32, #tpu.memory_space<hbm>>)
      } else {
      }
      "tpu.region"() ({
        %run_scoped3A = tpu.sem_alloc : memref<!tpu.dma_semaphore, #tpu.memory_space<semaphore_mem>>
        %dma_start3A_1421 = tpu.memref_slice %arg2[%add3A_196] : memref<1478656xi32, #tpu.memory_space<hbm>> -> memref<384xi32, #tpu.memory_space<hbm>>
        %dma_start3A_1422 = tpu.memref_slice %arg2[%add3A_196] : memref<1478656xi32, #tpu.memory_space<hbm>> -> memref<384xi32, #tpu.memory_space<hbm>>
        tpu.enqueue_dma source(%dma_start3A_1422 : memref<384xi32, #tpu.memory_space<hbm>>) target(%arg6 : memref<384xi32, #tpu.memory_space<vmem>>) target_semaphore(%run_scoped3A : memref<!tpu.dma_semaphore, #tpu.memory_space<semaphore_mem>>)
        %dma_wait3A_1423 = tpu.memref_slice %arg2[%add3A_196] : memref<1478656xi32, #tpu.memory_space<hbm>> -> memref<384xi32, #tpu.memory_space<hbm>>
        %dma_wait3A_1424 = tpu.memref_slice %arg2[%add3A_196] : memref<1478656xi32, #tpu.memory_space<hbm>> -> memref<384xi32, #tpu.memory_space<hbm>>
        tpu.wait_dma2 semaphore(%run_scoped3A : memref<!tpu.dma_semaphore, #tpu.memory_space<semaphore_mem>>) src(%dma_wait3A_1424 : memref<384xi32, #tpu.memory_space<hbm>>) dst(%arg6 : memref<384xi32, #tpu.memory_space<vmem>>)
        tpu.yield
      }) : () -> ()
      %mul3A_201 = arith.constant 3 : i32
      %mul3A_202 = arith.muli %mul3A_193, %mul3A_201 : i32
      %add3A_203 = arith.constant 0 : i32
      %add3A_204 = arith.addi %mul3A_202, %add3A_203 : i32
      %mul3A_205 = arith.constant 128 : i32
      %mul3A_206 = arith.muli %add3A_204, %mul3A_205 : i32
      %add3A_207 = arith.constant 0 : i32
      %add3A_208 = arith.addi %mul3A_206, %add3A_207 : i32
      %add3A_209 = vector.broadcast %add3A_208 : i32 to vector<16xi32>
      %add3A_210 = arith.addi %add3A_209, %iota3A : vector<16xi32>
      %rem3A_211 = arith.constant 361 : i32
      %rem3A_212 = vector.broadcast %rem3A_211 : i32 to vector<16xi32>
      %rem3A_213 = arith.remsi %add3A_210, %rem3A_212 : vector<16xi32>
      %mul3A_214 = arith.constant 3 : i32
      %mul3A_215 = vector.broadcast %mul3A_214 : i32 to vector<16xi32>
      %mul3A_216 = arith.muli %rem3A_213, %mul3A_215 : vector<16xi32>
      %get3A_217 = arith.constant 0 : index
      %get3A_218 = tpu.vector_load %arg6[%get3A_217] {strides = array<i32>} : memref<384xi32, #tpu.memory_space<vmem>>, vector<16xi32>,
      %get3A_219 = vector.shape_cast %get3A_218 : vector<16xi32> to vector<16xi32>
      %add3A_220 = arith.addi %mul3A_216, %get3A_219 : vector<16xi32>
      %swap3A_221 = arith.constant 0 : i32
      %swap3A_222 = arith.index_cast %swap3A_221 : i32 to index
      %swap3A_223 = arith.constant 0 : index
      %swap3A_224 = tpu.vector_load %arg7[%swap3A_222, %swap3A_223] {strides = array<i32>} : memref<3x128xi32, #tpu.memory_space<vmem>>, vector<1x16xi32>,
      %swap3A_225 = vector.shape_cast %swap3A_224 : vector<1x16xi32> to vector<16xi32>
      %swap3A_226 = vector.shape_cast %add3A_220 : vector<16xi32> to vector<1x16xi32>
      tpu.vector_store %arg7[%swap3A_222, %swap3A_223], %swap3A_226 {strides = array<i32>} : memref<3x128xi32, #tpu.memory_space<vmem>>, vector<1x16xi32>,
      %mul3A_227 = arith.constant 128 : i32
      %mul3A_228 = arith.muli %add3A_204, %mul3A_227 : i32
      %add3A_229 = arith.constant 16 : i32
      %add3A_230 = arith.addi %mul3A_228, %add3A_229 : i32
      %add3A_231 = vector.broadcast %add3A_230 : i32 to vector<16xi32>
      %add3A_232 = arith.addi %add3A_231, %iota3A : vector<16xi32>
      %rem3A_233 = arith.constant 361 : i32
      %rem3A_234 = vector.broadcast %rem3A_233 : i32 to vector<16xi32>
      %rem3A_235 = arith.remsi %add3A_232, %rem3A_234 : vector<16xi32>
      %mul3A_236 = arith.constant 3 : i32
      %mul3A_237 = vector.broadcast %mul3A_236 : i32 to vector<16xi32>
      %mul3A_238 = arith.muli %rem3A_235, %mul3A_237 : vector<16xi32>
      %get3A_239 = arith.constant 16 : index
      %get3A_240 = tpu.vector_load %arg6[%get3A_239] {strides = array<i32>} : memref<384xi32, #tpu.memory_space<vmem>>, vector<16xi32>,
      %get3A_241 = vector.shape_cast %get3A_240 : vector<16xi32> to vector<16xi32>
      %add3A_242 = arith.addi %mul3A_238, %get3A_241 : vector<16xi32>
      %swap3A_243 = arith.constant 0 : i32
      %swap3A_244 = arith.index_cast %swap3A_243 : i32 to index
      %swap3A_245 = arith.constant 16 : index
      %swap3A_246 = tpu.vector_load %arg7[%swap3A_244, %swap3A_245] {strides = array<i32>} : memref<3x128xi32, #tpu.memory_space<vmem>>, vector<1x16xi32>,
      %swap3A_247 = vector.shape_cast %swap3A_246 : vector<1x16xi32> to vector<16xi32>
      %swap3A_248 = vector.shape_cast %add3A_242 : vector<16xi32> to vector<1x16xi32>
      tpu.vector_store %arg7[%swap3A_244, %swap3A_245], %swap3A_248 {strides = array<i32>} : memref<3x128xi32, #tpu.memory_space<vmem>>, vector<1x16xi32>,
      %mul3A_249 = arith.constant 128 : i32
      %mul3A_250 = arith.muli %add3A_204, %mul3A_249 : i32
      %add3A_251 = arith.constant 32 : i32
      %add3A_252 = arith.addi %mul3A_250, %add3A_251 : i32
      %add3A_253 = vector.broadcast %add3A_252 : i32 to vector<16xi32>
      %add3A_254 = arith.addi %add3A_253, %iota3A : vector<16xi32>
      %rem3A_255 = arith.constant 361 : i32
      %rem3A_256 = vector.broadcast %rem3A_255 : i32 to vector<16xi32>
      %rem3A_257 = arith.remsi %add3A_254, %rem3A_256 : vector<16xi32>
      %mul3A_258 = arith.constant 3 : i32
      %mul3A_259 = vector.broadcast %mul3A_258 : i32 to vector<16xi32>
      %mul3A_260 = arith.muli %rem3A_257, %mul3A_259 : vector<16xi32>
      %get3A_261 = arith.constant 32 : index
      %get3A_262 = tpu.vector_load %arg6[%get3A_261] {strides = array<i32>} : memref<384xi32, #tpu.memory_space<vmem>>, vector<16xi32>,
      %get3A_263 = vector.shape_cast %get3A_262 : vector<16xi32> to vector<16xi32>
      %add3A_264 = arith.addi %mul3A_260, %get3A_263 : vector<16xi32>
      %swap3A_265 = arith.constant 0 : i32
      %swap3A_266 = arith.index_cast %swap3A_265 : i32 to index
      %swap3A_267 = arith.constant 32 : index
      %swap3A_268 = tpu.vector_load %arg7[%swap3A_266, %swap3A_267] {strides = array<i32>} : memref<3x128xi32, #tpu.memory_space<vmem>>, vector<1x16xi32>,
      %swap3A_269 = vector.shape_cast %swap3A_268 : vector<1x16xi32> to vector<16xi32>
      %swap3A_270 = vector.shape_cast %add3A_264 : vector<16xi32> to vector<1x16xi32>
      tpu.vector_store %arg7[%swap3A_266, %swap3A_267], %swap3A_270 {strides = array<i32>} : memref<3x128xi32, #tpu.memory_space<vmem>>, vector<1x16xi32>,
      %mul3A_271 = arith.constant 128 : i32
      %mul3A_272 = arith.muli %add3A_204, %mul3A_271 : i32
      %add3A_273 = arith.constant 48 : i32
      %add3A_274 = arith.addi %mul3A_272, %add3A_273 : i32
      %add3A_275 = vector.broadcast %add3A_274 : i32 to vector<16xi32>
      %add3A_276 = arith.addi %add3A_275, %iota3A : vector<16xi32>
      %rem3A_277 = arith.constant 361 : i32
      %rem3A_278 = vector.broadcast %rem3A_277 : i32 to vector<16xi32>
      %rem3A_279 = arith.remsi %add3A_276, %rem3A_278 : vector<16xi32>
      %mul3A_280 = arith.constant 3 : i32
      %mul3A_281 = vector.broadcast %mul3A_280 : i32 to vector<16xi32>
      %mul3A_282 = arith.muli %rem3A_279, %mul3A_281 : vector<16xi32>
      %get3A_283 = arith.constant 48 : index
      %get3A_284 = tpu.vector_load %arg6[%get3A_283] {strides = array<i32>} : memref<384xi32, #tpu.memory_space<vmem>>, vector<16xi32>,
      %get3A_285 = vector.shape_cast %get3A_284 : vector<16xi32> to vector<16xi32>
      %add3A_286 = arith.addi %mul3A_282, %get3A_285 : vector<16xi32>
      %swap3A_287 = arith.constant 0 : i32
      %swap3A_288 = arith.index_cast %swap3A_287 : i32 to index
      %swap3A_289 = arith.constant 48 : index
      %swap3A_290 = tpu.vector_load %arg7[%swap3A_288, %swap3A_289] {strides = array<i32>} : memref<3x128xi32, #tpu.memory_space<vmem>>, vector<1x16xi32>,
      %swap3A_291 = vector.shape_cast %swap3A_290 : vector<1x16xi32> to vector<16xi32>
      %swap3A_292 = vector.shape_cast %add3A_286 : vector<16xi32> to vector<1x16xi32>
      tpu.vector_store %arg7[%swap3A_288, %swap3A_289], %swap3A_292 {strides = array<i32>} : memref<3x128xi32, #tpu.memory_space<vmem>>, vector<1x16xi32>,
      %mul3A_293 = arith.constant 128 : i32
      %mul3A_294 = arith.muli %add3A_204, %mul3A_293 : i32
      %add3A_295 = arith.constant 64 : i32
      %add3A_296 = arith.addi %mul3A_294, %add3A_295 : i32
      %add3A_297 = vector.broadcast %add3A_296 : i32 to vector<16xi32>
      %add3A_298 = arith.addi %add3A_297, %iota3A : vector<16xi32>
      %rem3A_299 = arith.constant 361 : i32
      %rem3A_300 = vector.broadcast %rem3A_299 : i32 to vector<16xi32>
      %rem3A_301 = arith.remsi %add3A_298, %rem3A_300 : vector<16xi32>
      %mul3A_302 = arith.constant 3 : i32
      %mul3A_303 = vector.broadcast %mul3A_302 : i32 to vector<16xi32>
      %mul3A_304 = arith.muli %rem3A_301, %mul3A_303 : vector<16xi32>
      %get3A_305 = arith.constant 64 : index
      %get3A_306 = tpu.vector_load %arg6[%get3A_305] {strides = array<i32>} : memref<384xi32, #tpu.memory_space<vmem>>, vector<16xi32>,
      %get3A_307 = vector.shape_cast %get3A_306 : vector<16xi32> to vector<16xi32>
      %add3A_308 = arith.addi %mul3A_304, %get3A_307 : vector<16xi32>
      %swap3A_309 = arith.constant 0 : i32
      %swap3A_310 = arith.index_cast %swap3A_309 : i32 to index
      %swap3A_311 = arith.constant 64 : index
      %swap3A_312 = tpu.vector_load %arg7[%swap3A_310, %swap3A_311] {strides = array<i32>} : memref<3x128xi32, #tpu.memory_space<vmem>>, vector<1x16xi32>,
      %swap3A_313 = vector.shape_cast %swap3A_312 : vector<1x16xi32> to vector<16xi32>
      %swap3A_314 = vector.shape_cast %add3A_308 : vector<16xi32> to vector<1x16xi32>
      tpu.vector_store %arg7[%swap3A_310, %swap3A_311], %swap3A_314 {strides = array<i32>} : memref<3x128xi32, #tpu.memory_space<vmem>>, vector<1x16xi32>,
      %mul3A_315 = arith.constant 128 : i32
      %mul3A_316 = arith.muli %add3A_204, %mul3A_315 : i32
      %add3A_317 = arith.constant 80 : i32
      %add3A_318 = arith.addi %mul3A_316, %add3A_317 : i32
      %add3A_319 = vector.broadcast %add3A_318 : i32 to vector<16xi32>
      %add3A_320 = arith.addi %add3A_319, %iota3A : vector<16xi32>
      %rem3A_321 = arith.constant 361 : i32
      %rem3A_322 = vector.broadcast %rem3A_321 : i32 to vector<16xi32>
      %rem3A_323 = arith.remsi %add3A_320, %rem3A_322 : vector<16xi32>
      %mul3A_324 = arith.constant 3 : i32
      %mul3A_325 = vector.broadcast %mul3A_324 : i32 to vector<16xi32>
      %mul3A_326 = arith.muli %rem3A_323, %mul3A_325 : vector<16xi32>
      %get3A_327 = arith.constant 80 : index
      %get3A_328 = tpu.vector_load %arg6[%get3A_327] {strides = array<i32>} : memref<384xi32, #tpu.memory_space<vmem>>, vector<16xi32>,
      %get3A_329 = vector.shape_cast %get3A_328 : vector<16xi32> to vector<16xi32>
      %add3A_330 = arith.addi %mul3A_326, %get3A_329 : vector<16xi32>
      %swap3A_331 = arith.constant 0 : i32
      %swap3A_332 = arith.index_cast %swap3A_331 : i32 to index
      %swap3A_333 = arith.constant 80 : index
      %swap3A_334 = tpu.vector_load %arg7[%swap3A_332, %swap3A_333] {strides = array<i32>} : memref<3x128xi32, #tpu.memory_space<vmem>>, vector<1x16xi32>,
      %swap3A_335 = vector.shape_cast %swap3A_334 : vector<1x16xi32> to vector<16xi32>
      %swap3A_336 = vector.shape_cast %add3A_330 : vector<16xi32> to vector<1x16xi32>
      tpu.vector_store %arg7[%swap3A_332, %swap3A_333], %swap3A_336 {strides = array<i32>} : memref<3x128xi32, #tpu.memory_space<vmem>>, vector<1x16xi32>,
      %mul3A_337 = arith.constant 128 : i32
      %mul3A_338 = arith.muli %add3A_204, %mul3A_337 : i32
      %add3A_339 = arith.constant 96 : i32
      %add3A_340 = arith.addi %mul3A_338, %add3A_339 : i32
      %add3A_341 = vector.broadcast %add3A_340 : i32 to vector<16xi32>
      %add3A_342 = arith.addi %add3A_341, %iota3A : vector<16xi32>
      %rem3A_343 = arith.constant 361 : i32
      %rem3A_344 = vector.broadcast %rem3A_343 : i32 to vector<16xi32>
      %rem3A_345 = arith.remsi %add3A_342, %rem3A_344 : vector<16xi32>
      %mul3A_346 = arith.constant 3 : i32
      %mul3A_347 = vector.broadcast %mul3A_346 : i32 to vector<16xi32>
      %mul3A_348 = arith.muli %rem3A_345, %mul3A_347 : vector<16xi32>
      %get3A_349 = arith.constant 96 : index
      %get3A_350 = tpu.vector_load %arg6[%get3A_349] {strides = array<i32>} : memref<384xi32, #tpu.memory_space<vmem>>, vector<16xi32>,
      %get3A_351 = vector.shape_cast %get3A_350 : vector<16xi32> to vector<16xi32>
      %add3A_352 = arith.addi %mul3A_348, %get3A_351 : vector<16xi32>
      %swap3A_353 = arith.constant 0 : i32
      %swap3A_354 = arith.index_cast %swap3A_353 : i32 to index
      %swap3A_355 = arith.constant 96 : index
      %swap3A_356 = tpu.vector_load %arg7[%swap3A_354, %swap3A_355] {strides = array<i32>} : memref<3x128xi32, #tpu.memory_space<vmem>>, vector<1x16xi32>,
      %swap3A_357 = vector.shape_cast %swap3A_356 : vector<1x16xi32> to vector<16xi32>
      %swap3A_358 = vector.shape_cast %add3A_352 : vector<16xi32> to vector<1x16xi32>
      tpu.vector_store %arg7[%swap3A_354, %swap3A_355], %swap3A_358 {strides = array<i32>} : memref<3x128xi32, #tpu.memory_space<vmem>>, vector<1x16xi32>,
      %mul3A_359 = arith.constant 128 : i32
      %mul3A_360 = arith.muli %add3A_204, %mul3A_359 : i32
      %add3A_361 = arith.constant 112 : i32
      %add3A_362 = arith.addi %mul3A_360, %add3A_361 : i32
      %add3A_363 = vector.broadcast %add3A_362 : i32 to vector<16xi32>
      %add3A_364 = arith.addi %add3A_363, %iota3A : vector<16xi32>
      %rem3A_365 = arith.constant 361 : i32
      %rem3A_366 = vector.broadcast %rem3A_365 : i32 to vector<16xi32>
      %rem3A_367 = arith.remsi %add3A_364, %rem3A_366 : vector<16xi32>
      %mul3A_368 = arith.constant 3 : i32
      %mul3A_369 = vector.broadcast %mul3A_368 : i32 to vector<16xi32>
      %mul3A_370 = arith.muli %rem3A_367, %mul3A_369 : vector<16xi32>
      %get3A_371 = arith.constant 112 : index
      %get3A_372 = tpu.vector_load %arg6[%get3A_371] {strides = array<i32>} : memref<384xi32, #tpu.memory_space<vmem>>, vector<16xi32>,
      %get3A_373 = vector.shape_cast %get3A_372 : vector<16xi32> to vector<16xi32>
      %add3A_374 = arith.addi %mul3A_370, %get3A_373 : vector<16xi32>
      %swap3A_375 = arith.constant 0 : i32
      %swap3A_376 = arith.index_cast %swap3A_375 : i32 to index
      %swap3A_377 = arith.constant 112 : index
      %swap3A_378 = tpu.vector_load %arg7[%swap3A_376, %swap3A_377] {strides = array<i32>} : memref<3x128xi32, #tpu.memory_space<vmem>>, vector<1x16xi32>,
      %swap3A_379 = vector.shape_cast %swap3A_378 : vector<1x16xi32> to vector<16xi32>
      %swap3A_380 = vector.shape_cast %add3A_374 : vector<16xi32> to vector<1x16xi32>
      tpu.vector_store %arg7[%swap3A_376, %swap3A_377], %swap3A_380 {strides = array<i32>} : memref<3x128xi32, #tpu.memory_space<vmem>>, vector<1x16xi32>,
      %dma_start3A_381 = arith.constant 0 : i32
      %dma_start3A_382 = arith.constant 0 : i32
      %dma_start3A_383 = arith.constant 0 : i32
      %dma_start3A_384 = tpu.memref_slice %arg9[%dma_start3A_382, %dma_start3A_383] : memref<384x128xf32, #tpu.memory_space<vmem>> -> memref<128x128xf32, #tpu.memory_space<vmem>>
      %dma_start3A_385 = arith.constant 0 : i32
      %dma_start3A_386 = tpu.memref_slice %arg7[%dma_start3A_381, %dma_start3A_385] : memref<3x128xi32, #tpu.memory_space<vmem>> -> memref<1x128xi32, #tpu.memory_space<vmem>>
      %dma_start3A_387 = tpu.memref_squeeze %dma_start3A_386 : memref<1x128xi32, #tpu.memory_space<vmem>> -> memref<128xi32, #tpu.memory_space<vmem>>
      %dma_start3A_388 = arith.constant 0 : i32
      %dma_start3A_389 = arith.constant 0 : i32
      %dma_start3A_390 = tpu.memref_slice %arg5[%dma_start3A_388, %dma_start3A_389] : memref<1083x128xf32, #tpu.memory_space<vmem_shared>> -> memref<1083x128xf32, #tpu.memory_space<vmem_shared>>
      tpu.enqueue_indirect_dma source(%dma_start3A_390 : memref<1083x128xf32, #tpu.memory_space<vmem_shared>>) target(%dma_start3A_384 : memref<128x128xf32, #tpu.memory_space<vmem>>) offsets(%dma_start3A_387 : memref<128xi32, #tpu.memory_space<vmem>>) semaphore(%arg11 : memref<!tpu.dma_semaphore, #tpu.memory_space<semaphore_mem>>)
      %mul3A_391 = arith.constant 3 : i32
      %mul3A_392 = arith.muli %mul3A_193, %mul3A_391 : i32
      %add3A_393 = arith.constant 1 : i32
      %add3A_394 = arith.addi %mul3A_392, %add3A_393 : i32
      %mul3A_395 = arith.constant 128 : i32
      %mul3A_396 = arith.muli %add3A_394, %mul3A_395 : i32
      %add3A_397 = arith.constant 0 : i32
      %add3A_398 = arith.addi %mul3A_396, %add3A_397 : i32
      %add3A_399 = vector.broadcast %add3A_398 : i32 to vector<16xi32>
      %add3A_400 = arith.addi %add3A_399, %iota3A : vector<16xi32>
      %rem3A_401 = arith.constant 361 : i32
      %rem3A_402 = vector.broadcast %rem3A_401 : i32 to vector<16xi32>
      %rem3A_403 = arith.remsi %add3A_400, %rem3A_402 : vector<16xi32>
      %mul3A_404 = arith.constant 3 : i32
      %mul3A_405 = vector.broadcast %mul3A_404 : i32 to vector<16xi32>
      %mul3A_406 = arith.muli %rem3A_403, %mul3A_405 : vector<16xi32>
      %get3A_407 = arith.constant 128 : index
      %get3A_408 = tpu.vector_load %arg6[%get3A_407] {strides = array<i32>} : memref<384xi32, #tpu.memory_space<vmem>>, vector<16xi32>,
      %get3A_409 = vector.shape_cast %get3A_408 : vector<16xi32> to vector<16xi32>
      %add3A_410 = arith.addi %mul3A_406, %get3A_409 : vector<16xi32>
      %swap3A_411 = arith.constant 1 : i32
      %swap3A_412 = arith.index_cast %swap3A_411 : i32 to index
      %swap3A_413 = arith.constant 0 : index
      %swap3A_414 = tpu.vector_load %arg7[%swap3A_412, %swap3A_413] {strides = array<i32>} : memref<3x128xi32, #tpu.memory_space<vmem>>, vector<1x16xi32>,
      %swap3A_415 = vector.shape_cast %swap3A_414 : vector<1x16xi32> to vector<16xi32>
      %swap3A_416 = vector.shape_cast %add3A_410 : vector<16xi32> to vector<1x16xi32>
      tpu.vector_store %arg7[%swap3A_412, %swap3A_413], %swap3A_416 {strides = array<i32>} : memref<3x128xi32, #tpu.memory_space<vmem>>, vector<1x16xi32>,
      %mul3A_417 = arith.constant 128 : i32
      %mul3A_418 = arith.muli %add3A_394, %mul3A_417 : i32
      %add3A_419 = arith.constant 16 : i32
      %add3A_420 = arith.addi %mul3A_418, %add3A_419 : i32
      %add3A_421 = vector.broadcast %add3A_420 : i32 to vector<16xi32>
      %add3A_422 = arith.addi %add3A_421, %iota3A : vector<16xi32>
      %rem3A_423 = arith.constant 361 : i32
      %rem3A_424 = vector.broadcast %rem3A_423 : i32 to vector<16xi32>
      %rem3A_425 = arith.remsi %add3A_422, %rem3A_424 : vector<16xi32>
      %mul3A_426 = arith.constant 3 : i32
      %mul3A_427 = vector.broadcast %mul3A_426 : i32 to vector<16xi32>
      %mul3A_428 = arith.muli %rem3A_425, %mul3A_427 : vector<16xi32>
      %get3A_429 = arith.constant 144 : index
      %get3A_430 = tpu.vector_load %arg6[%get3A_429] {strides = array<i32>} : memref<384xi32, #tpu.memory_space<vmem>>, vector<16xi32>,
      %get3A_431 = vector.shape_cast %get3A_430 : vector<16xi32> to vector<16xi32>
      %add3A_432 = arith.addi %mul3A_428, %get3A_431 : vector<16xi32>
      %swap3A_433 = arith.constant 1 : i32
      %swap3A_434 = arith.index_cast %swap3A_433 : i32 to index
      %swap3A_435 = arith.constant 16 : index
      %swap3A_436 = tpu.vector_load %arg7[%swap3A_434, %swap3A_435] {strides = array<i32>} : memref<3x128xi32, #tpu.memory_space<vmem>>, vector<1x16xi32>,
      %swap3A_437 = vector.shape_cast %swap3A_436 : vector<1x16xi32> to vector<16xi32>
      %swap3A_438 = vector.shape_cast %add3A_432 : vector<16xi32> to vector<1x16xi32>
      tpu.vector_store %arg7[%swap3A_434, %swap3A_435], %swap3A_438 {strides = array<i32>} : memref<3x128xi32, #tpu.memory_space<vmem>>, vector<1x16xi32>,
      %mul3A_439 = arith.constant 128 : i32
      %mul3A_440 = arith.muli %add3A_394, %mul3A_439 : i32
      %add3A_441 = arith.constant 32 : i32
      %add3A_442 = arith.addi %mul3A_440, %add3A_441 : i32
      %add3A_443 = vector.broadcast %add3A_442 : i32 to vector<16xi32>
      %add3A_444 = arith.addi %add3A_443, %iota3A : vector<16xi32>
      %rem3A_445 = arith.constant 361 : i32
      %rem3A_446 = vector.broadcast %rem3A_445 : i32 to vector<16xi32>
      %rem3A_447 = arith.remsi %add3A_444, %rem3A_446 : vector<16xi32>
      %mul3A_448 = arith.constant 3 : i32
      %mul3A_449 = vector.broadcast %mul3A_448 : i32 to vector<16xi32>
      %mul3A_450 = arith.muli %rem3A_447, %mul3A_449 : vector<16xi32>
      %get3A_451 = arith.constant 160 : index
      %get3A_452 = tpu.vector_load %arg6[%get3A_451] {strides = array<i32>} : memref<384xi32, #tpu.memory_space<vmem>>, vector<16xi32>,
      %get3A_453 = vector.shape_cast %get3A_452 : vector<16xi32> to vector<16xi32>
      %add3A_454 = arith.addi %mul3A_450, %get3A_453 : vector<16xi32>
      %swap3A_455 = arith.constant 1 : i32
      %swap3A_456 = arith.index_cast %swap3A_455 : i32 to index
      %swap3A_457 = arith.constant 32 : index
      %swap3A_458 = tpu.vector_load %arg7[%swap3A_456, %swap3A_457] {strides = array<i32>} : memref<3x128xi32, #tpu.memory_space<vmem>>, vector<1x16xi32>,
      %swap3A_459 = vector.shape_cast %swap3A_458 : vector<1x16xi32> to vector<16xi32>
      %swap3A_460 = vector.shape_cast %add3A_454 : vector<16xi32> to vector<1x16xi32>
      tpu.vector_store %arg7[%swap3A_456, %swap3A_457], %swap3A_460 {strides = array<i32>} : memref<3x128xi32, #tpu.memory_space<vmem>>, vector<1x16xi32>,
      %mul3A_461 = arith.constant 128 : i32
      %mul3A_462 = arith.muli %add3A_394, %mul3A_461 : i32
      %add3A_463 = arith.constant 48 : i32
      %add3A_464 = arith.addi %mul3A_462, %add3A_463 : i32
      %add3A_465 = vector.broadcast %add3A_464 : i32 to vector<16xi32>
      %add3A_466 = arith.addi %add3A_465, %iota3A : vector<16xi32>
      %rem3A_467 = arith.constant 361 : i32
      %rem3A_468 = vector.broadcast %rem3A_467 : i32 to vector<16xi32>
      %rem3A_469 = arith.remsi %add3A_466, %rem3A_468 : vector<16xi32>
      %mul3A_470 = arith.constant 3 : i32
      %mul3A_471 = vector.broadcast %mul3A_470 : i32 to vector<16xi32>
      %mul3A_472 = arith.muli %rem3A_469, %mul3A_471 : vector<16xi32>
      %get3A_473 = arith.constant 176 : index
      %get3A_474 = tpu.vector_load %arg6[%get3A_473] {strides = array<i32>} : memref<384xi32, #tpu.memory_space<vmem>>, vector<16xi32>,
      %get3A_475 = vector.shape_cast %get3A_474 : vector<16xi32> to vector<16xi32>
      %add3A_476 = arith.addi %mul3A_472, %get3A_475 : vector<16xi32>
      %swap3A_477 = arith.constant 1 : i32
      %swap3A_478 = arith.index_cast %swap3A_477 : i32 to index
      %swap3A_479 = arith.constant 48 : index
      %swap3A_480 = tpu.vector_load %arg7[%swap3A_478, %swap3A_479] {strides = array<i32>} : memref<3x128xi32, #tpu.memory_space<vmem>>, vector<1x16xi32>,
      %swap3A_481 = vector.shape_cast %swap3A_480 : vector<1x16xi32> to vector<16xi32>
      %swap3A_482 = vector.shape_cast %add3A_476 : vector<16xi32> to vector<1x16xi32>
      tpu.vector_store %arg7[%swap3A_478, %swap3A_479], %swap3A_482 {strides = array<i32>} : memref<3x128xi32, #tpu.memory_space<vmem>>, vector<1x16xi32>,
      %mul3A_483 = arith.constant 128 : i32
      %mul3A_484 = arith.muli %add3A_394, %mul3A_483 : i32
      %add3A_485 = arith.constant 64 : i32
      %add3A_486 = arith.addi %mul3A_484, %add3A_485 : i32
      %add3A_487 = vector.broadcast %add3A_486 : i32 to vector<16xi32>
      %add3A_488 = arith.addi %add3A_487, %iota3A : vector<16xi32>
      %rem3A_489 = arith.constant 361 : i32
      %rem3A_490 = vector.broadcast %rem3A_489 : i32 to vector<16xi32>
      %rem3A_491 = arith.remsi %add3A_488, %rem3A_490 : vector<16xi32>
      %mul3A_492 = arith.constant 3 : i32
      %mul3A_493 = vector.broadcast %mul3A_492 : i32 to vector<16xi32>
      %mul3A_494 = arith.muli %rem3A_491, %mul3A_493 : vector<16xi32>
      %get3A_495 = arith.constant 192 : index
      %get3A_496 = tpu.vector_load %arg6[%get3A_495] {strides = array<i32>} : memref<384xi32, #tpu.memory_space<vmem>>, vector<16xi32>,
      %get3A_497 = vector.shape_cast %get3A_496 : vector<16xi32> to vector<16xi32>
      %add3A_498 = arith.addi %mul3A_494, %get3A_497 : vector<16xi32>
      %swap3A_499 = arith.constant 1 : i32
      %swap3A_500 = arith.index_cast %swap3A_499 : i32 to index
      %swap3A_501 = arith.constant 64 : index
      %swap3A_502 = tpu.vector_load %arg7[%swap3A_500, %swap3A_501] {strides = array<i32>} : memref<3x128xi32, #tpu.memory_space<vmem>>, vector<1x16xi32>,
      %swap3A_503 = vector.shape_cast %swap3A_502 : vector<1x16xi32> to vector<16xi32>
      %swap3A_504 = vector.shape_cast %add3A_498 : vector<16xi32> to vector<1x16xi32>
      tpu.vector_store %arg7[%swap3A_500, %swap3A_501], %swap3A_504 {strides = array<i32>} : memref<3x128xi32, #tpu.memory_space<vmem>>, vector<1x16xi32>,
      %mul3A_505 = arith.constant 128 : i32
      %mul3A_506 = arith.muli %add3A_394, %mul3A_505 : i32
      %add3A_507 = arith.constant 80 : i32
      %add3A_508 = arith.addi %mul3A_506, %add3A_507 : i32
      %add3A_509 = vector.broadcast %add3A_508 : i32 to vector<16xi32>
      %add3A_510 = arith.addi %add3A_509, %iota3A : vector<16xi32>
      %rem3A_511 = arith.constant 361 : i32
      %rem3A_512 = vector.broadcast %rem3A_511 : i32 to vector<16xi32>
      %rem3A_513 = arith.remsi %add3A_510, %rem3A_512 : vector<16xi32>
      %mul3A_514 = arith.constant 3 : i32
      %mul3A_515 = vector.broadcast %mul3A_514 : i32 to vector<16xi32>
      %mul3A_516 = arith.muli %rem3A_513, %mul3A_515 : vector<16xi32>
      %get3A_517 = arith.constant 208 : index
      %get3A_518 = tpu.vector_load %arg6[%get3A_517] {strides = array<i32>} : memref<384xi32, #tpu.memory_space<vmem>>, vector<16xi32>,
      %get3A_519 = vector.shape_cast %get3A_518 : vector<16xi32> to vector<16xi32>
      %add3A_520 = arith.addi %mul3A_516, %get3A_519 : vector<16xi32>
      %swap3A_521 = arith.constant 1 : i32
      %swap3A_522 = arith.index_cast %swap3A_521 : i32 to index
      %swap3A_523 = arith.constant 80 : index
      %swap3A_524 = tpu.vector_load %arg7[%swap3A_522, %swap3A_523] {strides = array<i32>} : memref<3x128xi32, #tpu.memory_space<vmem>>, vector<1x16xi32>,
      %swap3A_525 = vector.shape_cast %swap3A_524 : vector<1x16xi32> to vector<16xi32>
      %swap3A_526 = vector.shape_cast %add3A_520 : vector<16xi32> to vector<1x16xi32>
      tpu.vector_store %arg7[%swap3A_522, %swap3A_523], %swap3A_526 {strides = array<i32>} : memref<3x128xi32, #tpu.memory_space<vmem>>, vector<1x16xi32>,
      %mul3A_527 = arith.constant 128 : i32
      %mul3A_528 = arith.muli %add3A_394, %mul3A_527 : i32
      %add3A_529 = arith.constant 96 : i32
      %add3A_530 = arith.addi %mul3A_528, %add3A_529 : i32
      %add3A_531 = vector.broadcast %add3A_530 : i32 to vector<16xi32>
      %add3A_532 = arith.addi %add3A_531, %iota3A : vector<16xi32>
      %rem3A_533 = arith.constant 361 : i32
      %rem3A_534 = vector.broadcast %rem3A_533 : i32 to vector<16xi32>
      %rem3A_535 = arith.remsi %add3A_532, %rem3A_534 : vector<16xi32>
      %mul3A_536 = arith.constant 3 : i32
      %mul3A_537 = vector.broadcast %mul3A_536 : i32 to vector<16xi32>
      %mul3A_538 = arith.muli %rem3A_535, %mul3A_537 : vector<16xi32>
      %get3A_539 = arith.constant 224 : index
      %get3A_540 = tpu.vector_load %arg6[%get3A_539] {strides = array<i32>} : memref<384xi32, #tpu.memory_space<vmem>>, vector<16xi32>,
      %get3A_541 = vector.shape_cast %get3A_540 : vector<16xi32> to vector<16xi32>
      %add3A_542 = arith.addi %mul3A_538, %get3A_541 : vector<16xi32>
      %swap3A_543 = arith.constant 1 : i32
      %swap3A_544 = arith.index_cast %swap3A_543 : i32 to index
      %swap3A_545 = arith.constant 96 : index
      %swap3A_546 = tpu.vector_load %arg7[%swap3A_544, %swap3A_545] {strides = array<i32>} : memref<3x128xi32, #tpu.memory_space<vmem>>, vector<1x16xi32>,
      %swap3A_547 = vector.shape_cast %swap3A_546 : vector<1x16xi32> to vector<16xi32>
      %swap3A_548 = vector.shape_cast %add3A_542 : vector<16xi32> to vector<1x16xi32>
      tpu.vector_store %arg7[%swap3A_544, %swap3A_545], %swap3A_548 {strides = array<i32>} : memref<3x128xi32, #tpu.memory_space<vmem>>, vector<1x16xi32>,
      %mul3A_549 = arith.constant 128 : i32
      %mul3A_550 = arith.muli %add3A_394, %mul3A_549 : i32
      %add3A_551 = arith.constant 112 : i32
      %add3A_552 = arith.addi %mul3A_550, %add3A_551 : i32
      %add3A_553 = vector.broadcast %add3A_552 : i32 to vector<16xi32>
      %add3A_554 = arith.addi %add3A_553, %iota3A : vector<16xi32>
      %rem3A_555 = arith.constant 361 : i32
      %rem3A_556 = vector.broadcast %rem3A_555 : i32 to vector<16xi32>
      %rem3A_557 = arith.remsi %add3A_554, %rem3A_556 : vector<16xi32>
      %mul3A_558 = arith.constant 3 : i32
      %mul3A_559 = vector.broadcast %mul3A_558 : i32 to vector<16xi32>
      %mul3A_560 = arith.muli %rem3A_557, %mul3A_559 : vector<16xi32>
      %get3A_561 = arith.constant 240 : index
      %get3A_562 = tpu.vector_load %arg6[%get3A_561] {strides = array<i32>} : memref<384xi32, #tpu.memory_space<vmem>>, vector<16xi32>,
      %get3A_563 = vector.shape_cast %get3A_562 : vector<16xi32> to vector<16xi32>
      %add3A_564 = arith.addi %mul3A_560, %get3A_563 : vector<16xi32>
      %swap3A_565 = arith.constant 1 : i32
      %swap3A_566 = arith.index_cast %swap3A_565 : i32 to index
      %swap3A_567 = arith.constant 112 : index
      %swap3A_568 = tpu.vector_load %arg7[%swap3A_566, %swap3A_567] {strides = array<i32>} : memref<3x128xi32, #tpu.memory_space<vmem>>, vector<1x16xi32>,
      %swap3A_569 = vector.shape_cast %swap3A_568 : vector<1x16xi32> to vector<16xi32>
      %swap3A_570 = vector.shape_cast %add3A_564 : vector<16xi32> to vector<1x16xi32>
      tpu.vector_store %arg7[%swap3A_566, %swap3A_567], %swap3A_570 {strides = array<i32>} : memref<3x128xi32, #tpu.memory_space<vmem>>, vector<1x16xi32>,
      %dma_start3A_571 = arith.constant 1 : i32
      %dma_start3A_572 = arith.constant 128 : i32
      %dma_start3A_573 = arith.constant 0 : i32
      %dma_start3A_574 = tpu.memref_slice %arg9[%dma_start3A_572, %dma_start3A_573] : memref<384x128xf32, #tpu.memory_space<vmem>> -> memref<128x128xf32, #tpu.memory_space<vmem>>
      %dma_start3A_575 = arith.constant 0 : i32
      %dma_start3A_576 = tpu.memref_slice %arg7[%dma_start3A_571, %dma_start3A_575] : memref<3x128xi32, #tpu.memory_space<vmem>> -> memref<1x128xi32, #tpu.memory_space<vmem>>
      %dma_start3A_577 = tpu.memref_squeeze %dma_start3A_576 : memref<1x128xi32, #tpu.memory_space<vmem>> -> memref<128xi32, #tpu.memory_space<vmem>>
      %dma_start3A_578 = arith.constant 0 : i32
      %dma_start3A_579 = arith.constant 0 : i32
      %dma_start3A_580 = tpu.memref_slice %arg5[%dma_start3A_578, %dma_start3A_579] : memref<1083x128xf32, #tpu.memory_space<vmem_shared>> -> memref<1083x128xf32, #tpu.memory_space<vmem_shared>>
      tpu.enqueue_indirect_dma source(%dma_start3A_580 : memref<1083x128xf32, #tpu.memory_space<vmem_shared>>) target(%dma_start3A_574 : memref<128x128xf32, #tpu.memory_space<vmem>>) offsets(%dma_start3A_577 : memref<128xi32, #tpu.memory_space<vmem>>) semaphore(%arg11 : memref<!tpu.dma_semaphore, #tpu.memory_space<semaphore_mem>>)
      %mul3A_581 = arith.constant 3 : i32
      %mul3A_582 = arith.muli %mul3A_193, %mul3A_581 : i32
      %add3A_583 = arith.constant 2 : i32
      %add3A_584 = arith.addi %mul3A_582, %add3A_583 : i32
      %mul3A_585 = arith.constant 128 : i32
      %mul3A_586 = arith.muli %add3A_584, %mul3A_585 : i32
      %add3A_587 = arith.constant 0 : i32
      %add3A_588 = arith.addi %mul3A_586, %add3A_587 : i32
      %add3A_589 = vector.broadcast %add3A_588 : i32 to vector<16xi32>
      %add3A_590 = arith.addi %add3A_589, %iota3A : vector<16xi32>
      %rem3A_591 = arith.constant 361 : i32
      %rem3A_592 = vector.broadcast %rem3A_591 : i32 to vector<16xi32>
      %rem3A_593 = arith.remsi %add3A_590, %rem3A_592 : vector<16xi32>
      %mul3A_594 = arith.constant 3 : i32
      %mul3A_595 = vector.broadcast %mul3A_594 : i32 to vector<16xi32>
      %mul3A_596 = arith.muli %rem3A_593, %mul3A_595 : vector<16xi32>
      %get3A_597 = arith.constant 256 : index
      %get3A_598 = tpu.vector_load %arg6[%get3A_597] {strides = array<i32>} : memref<384xi32, #tpu.memory_space<vmem>>, vector<16xi32>,
      %get3A_599 = vector.shape_cast %get3A_598 : vector<16xi32> to vector<16xi32>
      %add3A_600 = arith.addi %mul3A_596, %get3A_599 : vector<16xi32>
      %swap3A_601 = arith.constant 2 : i32
      %swap3A_602 = arith.index_cast %swap3A_601 : i32 to index
      %swap3A_603 = arith.constant 0 : index
      %swap3A_604 = tpu.vector_load %arg7[%swap3A_602, %swap3A_603] {strides = array<i32>} : memref<3x128xi32, #tpu.memory_space<vmem>>, vector<1x16xi32>,
      %swap3A_605 = vector.shape_cast %swap3A_604 : vector<1x16xi32> to vector<16xi32>
      %swap3A_606 = vector.shape_cast %add3A_600 : vector<16xi32> to vector<1x16xi32>
      tpu.vector_store %arg7[%swap3A_602, %swap3A_603], %swap3A_606 {strides = array<i32>} : memref<3x128xi32, #tpu.memory_space<vmem>>, vector<1x16xi32>,
      %mul3A_607 = arith.constant 128 : i32
      %mul3A_608 = arith.muli %add3A_584, %mul3A_607 : i32
      %add3A_609 = arith.constant 16 : i32
      %add3A_610 = arith.addi %mul3A_608, %add3A_609 : i32
      %add3A_611 = vector.broadcast %add3A_610 : i32 to vector<16xi32>
      %add3A_612 = arith.addi %add3A_611, %iota3A : vector<16xi32>
      %rem3A_613 = arith.constant 361 : i32
      %rem3A_614 = vector.broadcast %rem3A_613 : i32 to vector<16xi32>
      %rem3A_615 = arith.remsi %add3A_612, %rem3A_614 : vector<16xi32>
      %mul3A_616 = arith.constant 3 : i32
      %mul3A_617 = vector.broadcast %mul3A_616 : i32 to vector<16xi32>
      %mul3A_618 = arith.muli %rem3A_615, %mul3A_617 : vector<16xi32>
      %get3A_619 = arith.constant 272 : index
      %get3A_620 = tpu.vector_load %arg6[%get3A_619] {strides = array<i32>} : memref<384xi32, #tpu.memory_space<vmem>>, vector<16xi32>,
      %get3A_621 = vector.shape_cast %get3A_620 : vector<16xi32> to vector<16xi32>
      %add3A_622 = arith.addi %mul3A_618, %get3A_621 : vector<16xi32>
      %swap3A_623 = arith.constant 2 : i32
      %swap3A_624 = arith.index_cast %swap3A_623 : i32 to index
      %swap3A_625 = arith.constant 16 : index
      %swap3A_626 = tpu.vector_load %arg7[%swap3A_624, %swap3A_625] {strides = array<i32>} : memref<3x128xi32, #tpu.memory_space<vmem>>, vector<1x16xi32>,
      %swap3A_627 = vector.shape_cast %swap3A_626 : vector<1x16xi32> to vector<16xi32>
      %swap3A_628 = vector.shape_cast %add3A_622 : vector<16xi32> to vector<1x16xi32>
      tpu.vector_store %arg7[%swap3A_624, %swap3A_625], %swap3A_628 {strides = array<i32>} : memref<3x128xi32, #tpu.memory_space<vmem>>, vector<1x16xi32>,
      %mul3A_629 = arith.constant 128 : i32
      %mul3A_630 = arith.muli %add3A_584, %mul3A_629 : i32
      %add3A_631 = arith.constant 32 : i32
      %add3A_632 = arith.addi %mul3A_630, %add3A_631 : i32
      %add3A_633 = vector.broadcast %add3A_632 : i32 to vector<16xi32>
      %add3A_634 = arith.addi %add3A_633, %iota3A : vector<16xi32>
      %rem3A_635 = arith.constant 361 : i32
      %rem3A_636 = vector.broadcast %rem3A_635 : i32 to vector<16xi32>
      %rem3A_637 = arith.remsi %add3A_634, %rem3A_636 : vector<16xi32>
      %mul3A_638 = arith.constant 3 : i32
      %mul3A_639 = vector.broadcast %mul3A_638 : i32 to vector<16xi32>
      %mul3A_640 = arith.muli %rem3A_637, %mul3A_639 : vector<16xi32>
      %get3A_641 = arith.constant 288 : index
      %get3A_642 = tpu.vector_load %arg6[%get3A_641] {strides = array<i32>} : memref<384xi32, #tpu.memory_space<vmem>>, vector<16xi32>,
      %get3A_643 = vector.shape_cast %get3A_642 : vector<16xi32> to vector<16xi32>
      %add3A_644 = arith.addi %mul3A_640, %get3A_643 : vector<16xi32>
      %swap3A_645 = arith.constant 2 : i32
      %swap3A_646 = arith.index_cast %swap3A_645 : i32 to index
      %swap3A_647 = arith.constant 32 : index
      %swap3A_648 = tpu.vector_load %arg7[%swap3A_646, %swap3A_647] {strides = array<i32>} : memref<3x128xi32, #tpu.memory_space<vmem>>, vector<1x16xi32>,
      %swap3A_649 = vector.shape_cast %swap3A_648 : vector<1x16xi32> to vector<16xi32>
      %swap3A_650 = vector.shape_cast %add3A_644 : vector<16xi32> to vector<1x16xi32>
      tpu.vector_store %arg7[%swap3A_646, %swap3A_647], %swap3A_650 {strides = array<i32>} : memref<3x128xi32, #tpu.memory_space<vmem>>, vector<1x16xi32>,
      %mul3A_651 = arith.constant 128 : i32
      %mul3A_652 = arith.muli %add3A_584, %mul3A_651 : i32
      %add3A_653 = arith.constant 48 : i32
      %add3A_654 = arith.addi %mul3A_652, %add3A_653 : i32
      %add3A_655 = vector.broadcast %add3A_654 : i32 to vector<16xi32>
      %add3A_656 = arith.addi %add3A_655, %iota3A : vector<16xi32>
      %rem3A_657 = arith.constant 361 : i32
      %rem3A_658 = vector.broadcast %rem3A_657 : i32 to vector<16xi32>
      %rem3A_659 = arith.remsi %add3A_656, %rem3A_658 : vector<16xi32>
      %mul3A_660 = arith.constant 3 : i32
      %mul3A_661 = vector.broadcast %mul3A_660 : i32 to vector<16xi32>
      %mul3A_662 = arith.muli %rem3A_659, %mul3A_661 : vector<16xi32>
      %get3A_663 = arith.constant 304 : index
      %get3A_664 = tpu.vector_load %arg6[%get3A_663] {strides = array<i32>} : memref<384xi32, #tpu.memory_space<vmem>>, vector<16xi32>,
      %get3A_665 = vector.shape_cast %get3A_664 : vector<16xi32> to vector<16xi32>
      %add3A_666 = arith.addi %mul3A_662, %get3A_665 : vector<16xi32>
      %swap3A_667 = arith.constant 2 : i32
      %swap3A_668 = arith.index_cast %swap3A_667 : i32 to index
      %swap3A_669 = arith.constant 48 : index
      %swap3A_670 = tpu.vector_load %arg7[%swap3A_668, %swap3A_669] {strides = array<i32>} : memref<3x128xi32, #tpu.memory_space<vmem>>, vector<1x16xi32>,
      %swap3A_671 = vector.shape_cast %swap3A_670 : vector<1x16xi32> to vector<16xi32>
      %swap3A_672 = vector.shape_cast %add3A_666 : vector<16xi32> to vector<1x16xi32>
      tpu.vector_store %arg7[%swap3A_668, %swap3A_669], %swap3A_672 {strides = array<i32>} : memref<3x128xi32, #tpu.memory_space<vmem>>, vector<1x16xi32>,
      %mul3A_673 = arith.constant 128 : i32
      %mul3A_674 = arith.muli %add3A_584, %mul3A_673 : i32
      %add3A_675 = arith.constant 64 : i32
      %add3A_676 = arith.addi %mul3A_674, %add3A_675 : i32
      %add3A_677 = vector.broadcast %add3A_676 : i32 to vector<16xi32>
      %add3A_678 = arith.addi %add3A_677, %iota3A : vector<16xi32>
      %rem3A_679 = arith.constant 361 : i32
      %rem3A_680 = vector.broadcast %rem3A_679 : i32 to vector<16xi32>
      %rem3A_681 = arith.remsi %add3A_678, %rem3A_680 : vector<16xi32>
      %mul3A_682 = arith.constant 3 : i32
      %mul3A_683 = vector.broadcast %mul3A_682 : i32 to vector<16xi32>
      %mul3A_684 = arith.muli %rem3A_681, %mul3A_683 : vector<16xi32>
      %get3A_685 = arith.constant 320 : index
      %get3A_686 = tpu.vector_load %arg6[%get3A_685] {strides = array<i32>} : memref<384xi32, #tpu.memory_space<vmem>>, vector<16xi32>,
      %get3A_687 = vector.shape_cast %get3A_686 : vector<16xi32> to vector<16xi32>
      %add3A_688 = arith.addi %mul3A_684, %get3A_687 : vector<16xi32>
      %swap3A_689 = arith.constant 2 : i32
      %swap3A_690 = arith.index_cast %swap3A_689 : i32 to index
      %swap3A_691 = arith.constant 64 : index
      %swap3A_692 = tpu.vector_load %arg7[%swap3A_690, %swap3A_691] {strides = array<i32>} : memref<3x128xi32, #tpu.memory_space<vmem>>, vector<1x16xi32>,
      %swap3A_693 = vector.shape_cast %swap3A_692 : vector<1x16xi32> to vector<16xi32>
      %swap3A_694 = vector.shape_cast %add3A_688 : vector<16xi32> to vector<1x16xi32>
      tpu.vector_store %arg7[%swap3A_690, %swap3A_691], %swap3A_694 {strides = array<i32>} : memref<3x128xi32, #tpu.memory_space<vmem>>, vector<1x16xi32>,
      %mul3A_695 = arith.constant 128 : i32
      %mul3A_696 = arith.muli %add3A_584, %mul3A_695 : i32
      %add3A_697 = arith.constant 80 : i32
      %add3A_698 = arith.addi %mul3A_696, %add3A_697 : i32
      %add3A_699 = vector.broadcast %add3A_698 : i32 to vector<16xi32>
      %add3A_700 = arith.addi %add3A_699, %iota3A : vector<16xi32>
      %rem3A_701 = arith.constant 361 : i32
      %rem3A_702 = vector.broadcast %rem3A_701 : i32 to vector<16xi32>
      %rem3A_703 = arith.remsi %add3A_700, %rem3A_702 : vector<16xi32>
      %mul3A_704 = arith.constant 3 : i32
      %mul3A_705 = vector.broadcast %mul3A_704 : i32 to vector<16xi32>
      %mul3A_706 = arith.muli %rem3A_703, %mul3A_705 : vector<16xi32>
      %get3A_707 = arith.constant 336 : index
      %get3A_708 = tpu.vector_load %arg6[%get3A_707] {strides = array<i32>} : memref<384xi32, #tpu.memory_space<vmem>>, vector<16xi32>,
      %get3A_709 = vector.shape_cast %get3A_708 : vector<16xi32> to vector<16xi32>
      %add3A_710 = arith.addi %mul3A_706, %get3A_709 : vector<16xi32>
      %swap3A_711 = arith.constant 2 : i32
      %swap3A_712 = arith.index_cast %swap3A_711 : i32 to index
      %swap3A_713 = arith.constant 80 : index
      %swap3A_714 = tpu.vector_load %arg7[%swap3A_712, %swap3A_713] {strides = array<i32>} : memref<3x128xi32, #tpu.memory_space<vmem>>, vector<1x16xi32>,
      %swap3A_715 = vector.shape_cast %swap3A_714 : vector<1x16xi32> to vector<16xi32>
      %swap3A_716 = vector.shape_cast %add3A_710 : vector<16xi32> to vector<1x16xi32>
      tpu.vector_store %arg7[%swap3A_712, %swap3A_713], %swap3A_716 {strides = array<i32>} : memref<3x128xi32, #tpu.memory_space<vmem>>, vector<1x16xi32>,
      %mul3A_717 = arith.constant 128 : i32
      %mul3A_718 = arith.muli %add3A_584, %mul3A_717 : i32
      %add3A_719 = arith.constant 96 : i32
      %add3A_720 = arith.addi %mul3A_718, %add3A_719 : i32
      %add3A_721 = vector.broadcast %add3A_720 : i32 to vector<16xi32>
      %add3A_722 = arith.addi %add3A_721, %iota3A : vector<16xi32>
      %rem3A_723 = arith.constant 361 : i32
      %rem3A_724 = vector.broadcast %rem3A_723 : i32 to vector<16xi32>
      %rem3A_725 = arith.remsi %add3A_722, %rem3A_724 : vector<16xi32>
      %mul3A_726 = arith.constant 3 : i32
      %mul3A_727 = vector.broadcast %mul3A_726 : i32 to vector<16xi32>
      %mul3A_728 = arith.muli %rem3A_725, %mul3A_727 : vector<16xi32>
      %get3A_729 = arith.constant 352 : index
      %get3A_730 = tpu.vector_load %arg6[%get3A_729] {strides = array<i32>} : memref<384xi32, #tpu.memory_space<vmem>>, vector<16xi32>,
      %get3A_731 = vector.shape_cast %get3A_730 : vector<16xi32> to vector<16xi32>
      %add3A_732 = arith.addi %mul3A_728, %get3A_731 : vector<16xi32>
      %swap3A_733 = arith.constant 2 : i32
      %swap3A_734 = arith.index_cast %swap3A_733 : i32 to index
      %swap3A_735 = arith.constant 96 : index
      %swap3A_736 = tpu.vector_load %arg7[%swap3A_734, %swap3A_735] {strides = array<i32>} : memref<3x128xi32, #tpu.memory_space<vmem>>, vector<1x16xi32>,
      %swap3A_737 = vector.shape_cast %swap3A_736 : vector<1x16xi32> to vector<16xi32>
      %swap3A_738 = vector.shape_cast %add3A_732 : vector<16xi32> to vector<1x16xi32>
      tpu.vector_store %arg7[%swap3A_734, %swap3A_735], %swap3A_738 {strides = array<i32>} : memref<3x128xi32, #tpu.memory_space<vmem>>, vector<1x16xi32>,
      %mul3A_739 = arith.constant 128 : i32
      %mul3A_740 = arith.muli %add3A_584, %mul3A_739 : i32
      %add3A_741 = arith.constant 112 : i32
      %add3A_742 = arith.addi %mul3A_740, %add3A_741 : i32
      %add3A_743 = vector.broadcast %add3A_742 : i32 to vector<16xi32>
      %add3A_744 = arith.addi %add3A_743, %iota3A : vector<16xi32>
      %rem3A_745 = arith.constant 361 : i32
      %rem3A_746 = vector.broadcast %rem3A_745 : i32 to vector<16xi32>
      %rem3A_747 = arith.remsi %add3A_744, %rem3A_746 : vector<16xi32>
      %mul3A_748 = arith.constant 3 : i32
      %mul3A_749 = vector.broadcast %mul3A_748 : i32 to vector<16xi32>
      %mul3A_750 = arith.muli %rem3A_747, %mul3A_749 : vector<16xi32>
      %get3A_751 = arith.constant 368 : index
      %get3A_752 = tpu.vector_load %arg6[%get3A_751] {strides = array<i32>} : memref<384xi32, #tpu.memory_space<vmem>>, vector<16xi32>,
      %get3A_753 = vector.shape_cast %get3A_752 : vector<16xi32> to vector<16xi32>
      %add3A_754 = arith.addi %mul3A_750, %get3A_753 : vector<16xi32>
      %swap3A_755 = arith.constant 2 : i32
      %swap3A_756 = arith.index_cast %swap3A_755 : i32 to index
      %swap3A_757 = arith.constant 112 : index
      %swap3A_758 = tpu.vector_load %arg7[%swap3A_756, %swap3A_757] {strides = array<i32>} : memref<3x128xi32, #tpu.memory_space<vmem>>, vector<1x16xi32>,
      %swap3A_759 = vector.shape_cast %swap3A_758 : vector<1x16xi32> to vector<16xi32>
      %swap3A_760 = vector.shape_cast %add3A_754 : vector<16xi32> to vector<1x16xi32>
      tpu.vector_store %arg7[%swap3A_756, %swap3A_757], %swap3A_760 {strides = array<i32>} : memref<3x128xi32, #tpu.memory_space<vmem>>, vector<1x16xi32>,
      %dma_start3A_761 = arith.constant 2 : i32
      %dma_start3A_762 = arith.constant 256 : i32
      %dma_start3A_763 = arith.constant 0 : i32
      %dma_start3A_764 = tpu.memref_slice %arg9[%dma_start3A_762, %dma_start3A_763] : memref<384x128xf32, #tpu.memory_space<vmem>> -> memref<128x128xf32, #tpu.memory_space<vmem>>
      %dma_start3A_765 = arith.constant 0 : i32
      %dma_start3A_766 = tpu.memref_slice %arg7[%dma_start3A_761, %dma_start3A_765] : memref<3x128xi32, #tpu.memory_space<vmem>> -> memref<1x128xi32, #tpu.memory_space<vmem>>
      %dma_start3A_767 = tpu.memref_squeeze %dma_start3A_766 : memref<1x128xi32, #tpu.memory_space<vmem>> -> memref<128xi32, #tpu.memory_space<vmem>>
      %dma_start3A_768 = arith.constant 0 : i32
      %dma_start3A_769 = arith.constant 0 : i32
      %dma_start3A_770 = tpu.memref_slice %arg5[%dma_start3A_768, %dma_start3A_769] : memref<1083x128xf32, #tpu.memory_space<vmem_shared>> -> memref<1083x128xf32, #tpu.memory_space<vmem_shared>>
      tpu.enqueue_indirect_dma source(%dma_start3A_770 : memref<1083x128xf32, #tpu.memory_space<vmem_shared>>) target(%dma_start3A_764 : memref<128x128xf32, #tpu.memory_space<vmem>>) offsets(%dma_start3A_767 : memref<128xi32, #tpu.memory_space<vmem>>) semaphore(%arg11 : memref<!tpu.dma_semaphore, #tpu.memory_space<semaphore_mem>>)
      %dma_wait3A_771 = arith.constant 0 : i32
      %dma_wait3A_772 = arith.constant 0 : i32
      %dma_wait3A_773 = arith.constant 0 : i32
      %dma_wait3A_774 = tpu.memref_slice %arg9[%dma_wait3A_772, %dma_wait3A_773] : memref<384x128xf32, #tpu.memory_space<vmem>> -> memref<128x128xf32, #tpu.memory_space<vmem>>
      %dma_wait3A_775 = arith.constant 0 : i32
      %dma_wait3A_776 = tpu.memref_slice %arg7[%dma_wait3A_771, %dma_wait3A_775] : memref<3x128xi32, #tpu.memory_space<vmem>> -> memref<1x128xi32, #tpu.memory_space<vmem>>
      %dma_wait3A_777 = tpu.memref_squeeze %dma_wait3A_776 : memref<1x128xi32, #tpu.memory_space<vmem>> -> memref<128xi32, #tpu.memory_space<vmem>>
      %dma_wait3A_778 = arith.constant 0 : i32
      %dma_wait3A_779 = arith.constant 0 : i32
      %dma_wait3A_780 = tpu.memref_slice %arg5[%dma_wait3A_778, %dma_wait3A_779] : memref<1083x128xf32, #tpu.memory_space<vmem_shared>> -> memref<1083x128xf32, #tpu.memory_space<vmem_shared>>
      tpu.wait_indirect_dma semaphore(%arg11 : memref<!tpu.dma_semaphore, #tpu.memory_space<semaphore_mem>>) src(%dma_wait3A_780 : memref<1083x128xf32, #tpu.memory_space<vmem_shared>>) dst(%dma_wait3A_774 : memref<128x128xf32, #tpu.memory_space<vmem>>)
      %dma_wait3A_781 = arith.constant 1 : i32
      %dma_wait3A_782 = arith.constant 128 : i32
      %dma_wait3A_783 = arith.constant 0 : i32
      %dma_wait3A_784 = tpu.memref_slice %arg9[%dma_wait3A_782, %dma_wait3A_783] : memref<384x128xf32, #tpu.memory_space<vmem>> -> memref<128x128xf32, #tpu.memory_space<vmem>>
      %dma_wait3A_785 = arith.constant 0 : i32
      %dma_wait3A_786 = tpu.memref_slice %arg7[%dma_wait3A_781, %dma_wait3A_785] : memref<3x128xi32, #tpu.memory_space<vmem>> -> memref<1x128xi32, #tpu.memory_space<vmem>>
      %dma_wait3A_787 = tpu.memref_squeeze %dma_wait3A_786 : memref<1x128xi32, #tpu.memory_space<vmem>> -> memref<128xi32, #tpu.memory_space<vmem>>
      %dma_wait3A_788 = arith.constant 0 : i32
      %dma_wait3A_789 = arith.constant 0 : i32
      %dma_wait3A_790 = tpu.memref_slice %arg5[%dma_wait3A_788, %dma_wait3A_789] : memref<1083x128xf32, #tpu.memory_space<vmem_shared>> -> memref<1083x128xf32, #tpu.memory_space<vmem_shared>>
      tpu.wait_indirect_dma semaphore(%arg11 : memref<!tpu.dma_semaphore, #tpu.memory_space<semaphore_mem>>) src(%dma_wait3A_790 : memref<1083x128xf32, #tpu.memory_space<vmem_shared>>) dst(%dma_wait3A_784 : memref<128x128xf32, #tpu.memory_space<vmem>>)
      %dma_wait3A_791 = arith.constant 2 : i32
      %dma_wait3A_792 = arith.constant 256 : i32
      %dma_wait3A_793 = arith.constant 0 : i32
      %dma_wait3A_794 = tpu.memref_slice %arg9[%dma_wait3A_792, %dma_wait3A_793] : memref<384x128xf32, #tpu.memory_space<vmem>> -> memref<128x128xf32, #tpu.memory_space<vmem>>
      %dma_wait3A_795 = arith.constant 0 : i32
      %dma_wait3A_796 = tpu.memref_slice %arg7[%dma_wait3A_791, %dma_wait3A_795] : memref<3x128xi32, #tpu.memory_space<vmem>> -> memref<1x128xi32, #tpu.memory_space<vmem>>
      %dma_wait3A_797 = tpu.memref_squeeze %dma_wait3A_796 : memref<1x128xi32, #tpu.memory_space<vmem>> -> memref<128xi32, #tpu.memory_space<vmem>>
      %dma_wait3A_798 = arith.constant 0 : i32
      %dma_wait3A_799 = arith.constant 0 : i32
      %dma_wait3A_800 = tpu.memref_slice %arg5[%dma_wait3A_798, %dma_wait3A_799] : memref<1083x128xf32, #tpu.memory_space<vmem_shared>> -> memref<1083x128xf32, #tpu.memory_space<vmem_shared>>
      tpu.wait_indirect_dma semaphore(%arg11 : memref<!tpu.dma_semaphore, #tpu.memory_space<semaphore_mem>>) src(%dma_wait3A_800 : memref<1083x128xf32, #tpu.memory_space<vmem_shared>>) dst(%dma_wait3A_794 : memref<128x128xf32, #tpu.memory_space<vmem>>)
      %dma_start3A_801 = arith.constant 0 : i32
      %dma_start3A_802 = tpu.memref_slice %arg4[%add3A_196, %dma_start3A_801] : memref<1478656x128xf32, #tpu.memory_space<hbm>> -> memref<384x128xf32, #tpu.memory_space<hbm>>
      %dma_start3A_803 = arith.constant 0 : i32
      %dma_start3A_804 = tpu.memref_slice %arg4[%add3A_196, %dma_start3A_803] : memref<1478656x128xf32, #tpu.memory_space<hbm>> -> memref<384x128xf32, #tpu.memory_space<hbm>>
      tpu.enqueue_dma source(%arg9 : memref<384x128xf32, #tpu.memory_space<vmem>>) target(%dma_start3A_804 : memref<384x128xf32, #tpu.memory_space<hbm>>) target_semaphore(%arg13 : memref<!tpu.dma_semaphore, #tpu.memory_space<semaphore_mem>>)
      %mul3A_805 = arith.constant 2 : i32
      %mul3A_806 = arith.muli %mul3A_805, %scan3A_191 : i32
      %add3A_807 = arith.constant 1 : i32
      %add3A_808 = arith.addi %mul3A_806, %add3A_807 : i32
      %mul3A_809 = arith.constant 384 : i32
      %mul3A_810 = arith.muli %add3A_808, %mul3A_809 : i32
      %add3A_811 = arith.addi %mul3A_2, %mul3A_810 : i32
      %gt3A_812 = arith.constant 0 : i32
      %gt3A_813 = arith.cmpi sgt, %scan3A_191, %gt3A_812 : i32
      %convert_element_type3A_814 = arith.extui %gt3A_813 : i1 to i32
      %cond3A_815 = arith.constant 0 : i32
      %cond3A_816 = arith.cmpi ne, %convert_element_type3A_814, %cond3A_815 : i32
      scf.if %cond3A_816 {
        %dma_wait3A_1421 = arith.constant 0 : i32
        %dma_wait3A_1422 = arith.constant 0 : i32
        %dma_wait3A_1423 = tpu.memref_slice %arg4[%dma_wait3A_1421, %dma_wait3A_1422] : memref<1478656x128xf32, #tpu.memory_space<hbm>> -> memref<384x128xf32, #tpu.memory_space<hbm>>
        %dma_wait3A_1424 = arith.constant 0 : i32
        %dma_wait3A_1425 = arith.constant 0 : i32
        %dma_wait3A_1426 = tpu.memref_slice %arg4[%dma_wait3A_1424, %dma_wait3A_1425] : memref<1478656x128xf32, #tpu.memory_space<hbm>> -> memref<384x128xf32, #tpu.memory_space<hbm>>
        tpu.wait_dma2 semaphore(%arg14 : memref<!tpu.dma_semaphore, #tpu.memory_space<semaphore_mem>>) src(%arg10 : memref<384x128xf32, #tpu.memory_space<vmem>>) dst(%dma_wait3A_1426 : memref<384x128xf32, #tpu.memory_space<hbm>>)
      } else {
      }
      "tpu.region"() ({
        %run_scoped3A = tpu.sem_alloc : memref<!tpu.dma_semaphore, #tpu.memory_space<semaphore_mem>>
        %dma_start3A_1421 = tpu.memref_slice %arg2[%add3A_811] : memref<1478656xi32, #tpu.memory_space<hbm>> -> memref<384xi32, #tpu.memory_space<hbm>>
        %dma_start3A_1422 = tpu.memref_slice %arg2[%add3A_811] : memref<1478656xi32, #tpu.memory_space<hbm>> -> memref<384xi32, #tpu.memory_space<hbm>>
        tpu.enqueue_dma source(%dma_start3A_1422 : memref<384xi32, #tpu.memory_space<hbm>>) target(%arg6 : memref<384xi32, #tpu.memory_space<vmem>>) target_semaphore(%run_scoped3A : memref<!tpu.dma_semaphore, #tpu.memory_space<semaphore_mem>>)
        %dma_wait3A_1423 = tpu.memref_slice %arg2[%add3A_811] : memref<1478656xi32, #tpu.memory_space<hbm>> -> memref<384xi32, #tpu.memory_space<hbm>>
        %dma_wait3A_1424 = tpu.memref_slice %arg2[%add3A_811] : memref<1478656xi32, #tpu.memory_space<hbm>> -> memref<384xi32, #tpu.memory_space<hbm>>
        tpu.wait_dma2 semaphore(%run_scoped3A : memref<!tpu.dma_semaphore, #tpu.memory_space<semaphore_mem>>) src(%dma_wait3A_1424 : memref<384xi32, #tpu.memory_space<hbm>>) dst(%arg6 : memref<384xi32, #tpu.memory_space<vmem>>)
        tpu.yield
      }) : () -> ()
      %mul3A_817 = arith.constant 3 : i32
      %mul3A_818 = arith.muli %add3A_808, %mul3A_817 : i32
      %add3A_819 = arith.constant 0 : i32
      %add3A_820 = arith.addi %mul3A_818, %add3A_819 : i32
      %mul3A_821 = arith.constant 128 : i32
      %mul3A_822 = arith.muli %add3A_820, %mul3A_821 : i32
      %add3A_823 = arith.constant 0 : i32
      %add3A_824 = arith.addi %mul3A_822, %add3A_823 : i32
      %add3A_825 = vector.broadcast %add3A_824 : i32 to vector<16xi32>
      %add3A_826 = arith.addi %add3A_825, %iota3A : vector<16xi32>
      %rem3A_827 = arith.constant 361 : i32
      %rem3A_828 = vector.broadcast %rem3A_827 : i32 to vector<16xi32>
      %rem3A_829 = arith.remsi %add3A_826, %rem3A_828 : vector<16xi32>
      %mul3A_830 = arith.constant 3 : i32
      %mul3A_831 = vector.broadcast %mul3A_830 : i32 to vector<16xi32>
      %mul3A_832 = arith.muli %rem3A_829, %mul3A_831 : vector<16xi32>
      %get3A_833 = arith.constant 0 : index
      %get3A_834 = tpu.vector_load %arg6[%get3A_833] {strides = array<i32>} : memref<384xi32, #tpu.memory_space<vmem>>, vector<16xi32>,
      %get3A_835 = vector.shape_cast %get3A_834 : vector<16xi32> to vector<16xi32>
      %add3A_836 = arith.addi %mul3A_832, %get3A_835 : vector<16xi32>
      %swap3A_837 = arith.constant 0 : i32
      %swap3A_838 = arith.index_cast %swap3A_837 : i32 to index
      %swap3A_839 = arith.constant 0 : index
      %swap3A_840 = tpu.vector_load %arg8[%swap3A_838, %swap3A_839] {strides = array<i32>} : memref<3x128xi32, #tpu.memory_space<vmem>>, vector<1x16xi32>,
      %swap3A_841 = vector.shape_cast %swap3A_840 : vector<1x16xi32> to vector<16xi32>
      %swap3A_842 = vector.shape_cast %add3A_836 : vector<16xi32> to vector<1x16xi32>
      tpu.vector_store %arg8[%swap3A_838, %swap3A_839], %swap3A_842 {strides = array<i32>} : memref<3x128xi32, #tpu.memory_space<vmem>>, vector<1x16xi32>,
      %mul3A_843 = arith.constant 128 : i32
      %mul3A_844 = arith.muli %add3A_820, %mul3A_843 : i32
      %add3A_845 = arith.constant 16 : i32
      %add3A_846 = arith.addi %mul3A_844, %add3A_845 : i32
      %add3A_847 = vector.broadcast %add3A_846 : i32 to vector<16xi32>
      %add3A_848 = arith.addi %add3A_847, %iota3A : vector<16xi32>
      %rem3A_849 = arith.constant 361 : i32
      %rem3A_850 = vector.broadcast %rem3A_849 : i32 to vector<16xi32>
      %rem3A_851 = arith.remsi %add3A_848, %rem3A_850 : vector<16xi32>
      %mul3A_852 = arith.constant 3 : i32
      %mul3A_853 = vector.broadcast %mul3A_852 : i32 to vector<16xi32>
      %mul3A_854 = arith.muli %rem3A_851, %mul3A_853 : vector<16xi32>
      %get3A_855 = arith.constant 16 : index
      %get3A_856 = tpu.vector_load %arg6[%get3A_855] {strides = array<i32>} : memref<384xi32, #tpu.memory_space<vmem>>, vector<16xi32>,
      %get3A_857 = vector.shape_cast %get3A_856 : vector<16xi32> to vector<16xi32>
      %add3A_858 = arith.addi %mul3A_854, %get3A_857 : vector<16xi32>
      %swap3A_859 = arith.constant 0 : i32
      %swap3A_860 = arith.index_cast %swap3A_859 : i32 to index
      %swap3A_861 = arith.constant 16 : index
      %swap3A_862 = tpu.vector_load %arg8[%swap3A_860, %swap3A_861] {strides = array<i32>} : memref<3x128xi32, #tpu.memory_space<vmem>>, vector<1x16xi32>,
      %swap3A_863 = vector.shape_cast %swap3A_862 : vector<1x16xi32> to vector<16xi32>
      %swap3A_864 = vector.shape_cast %add3A_858 : vector<16xi32> to vector<1x16xi32>
      tpu.vector_store %arg8[%swap3A_860, %swap3A_861], %swap3A_864 {strides = array<i32>} : memref<3x128xi32, #tpu.memory_space<vmem>>, vector<1x16xi32>,
      %mul3A_865 = arith.constant 128 : i32
      %mul3A_866 = arith.muli %add3A_820, %mul3A_865 : i32
      %add3A_867 = arith.constant 32 : i32
      %add3A_868 = arith.addi %mul3A_866, %add3A_867 : i32
      %add3A_869 = vector.broadcast %add3A_868 : i32 to vector<16xi32>
      %add3A_870 = arith.addi %add3A_869, %iota3A : vector<16xi32>
      %rem3A_871 = arith.constant 361 : i32
      %rem3A_872 = vector.broadcast %rem3A_871 : i32 to vector<16xi32>
      %rem3A_873 = arith.remsi %add3A_870, %rem3A_872 : vector<16xi32>
      %mul3A_874 = arith.constant 3 : i32
      %mul3A_875 = vector.broadcast %mul3A_874 : i32 to vector<16xi32>
      %mul3A_876 = arith.muli %rem3A_873, %mul3A_875 : vector<16xi32>
      %get3A_877 = arith.constant 32 : index
      %get3A_878 = tpu.vector_load %arg6[%get3A_877] {strides = array<i32>} : memref<384xi32, #tpu.memory_space<vmem>>, vector<16xi32>,
      %get3A_879 = vector.shape_cast %get3A_878 : vector<16xi32> to vector<16xi32>
      %add3A_880 = arith.addi %mul3A_876, %get3A_879 : vector<16xi32>
      %swap3A_881 = arith.constant 0 : i32
      %swap3A_882 = arith.index_cast %swap3A_881 : i32 to index
      %swap3A_883 = arith.constant 32 : index
      %swap3A_884 = tpu.vector_load %arg8[%swap3A_882, %swap3A_883] {strides = array<i32>} : memref<3x128xi32, #tpu.memory_space<vmem>>, vector<1x16xi32>,
      %swap3A_885 = vector.shape_cast %swap3A_884 : vector<1x16xi32> to vector<16xi32>
      %swap3A_886 = vector.shape_cast %add3A_880 : vector<16xi32> to vector<1x16xi32>
      tpu.vector_store %arg8[%swap3A_882, %swap3A_883], %swap3A_886 {strides = array<i32>} : memref<3x128xi32, #tpu.memory_space<vmem>>, vector<1x16xi32>,
      %mul3A_887 = arith.constant 128 : i32
      %mul3A_888 = arith.muli %add3A_820, %mul3A_887 : i32
      %add3A_889 = arith.constant 48 : i32
      %add3A_890 = arith.addi %mul3A_888, %add3A_889 : i32
      %add3A_891 = vector.broadcast %add3A_890 : i32 to vector<16xi32>
      %add3A_892 = arith.addi %add3A_891, %iota3A : vector<16xi32>
      %rem3A_893 = arith.constant 361 : i32
      %rem3A_894 = vector.broadcast %rem3A_893 : i32 to vector<16xi32>
      %rem3A_895 = arith.remsi %add3A_892, %rem3A_894 : vector<16xi32>
      %mul3A_896 = arith.constant 3 : i32
      %mul3A_897 = vector.broadcast %mul3A_896 : i32 to vector<16xi32>
      %mul3A_898 = arith.muli %rem3A_895, %mul3A_897 : vector<16xi32>
      %get3A_899 = arith.constant 48 : index
      %get3A_900 = tpu.vector_load %arg6[%get3A_899] {strides = array<i32>} : memref<384xi32, #tpu.memory_space<vmem>>, vector<16xi32>,
      %get3A_901 = vector.shape_cast %get3A_900 : vector<16xi32> to vector<16xi32>
      %add3A_902 = arith.addi %mul3A_898, %get3A_901 : vector<16xi32>
      %swap3A_903 = arith.constant 0 : i32
      %swap3A_904 = arith.index_cast %swap3A_903 : i32 to index
      %swap3A_905 = arith.constant 48 : index
      %swap3A_906 = tpu.vector_load %arg8[%swap3A_904, %swap3A_905] {strides = array<i32>} : memref<3x128xi32, #tpu.memory_space<vmem>>, vector<1x16xi32>,
      %swap3A_907 = vector.shape_cast %swap3A_906 : vector<1x16xi32> to vector<16xi32>
      %swap3A_908 = vector.shape_cast %add3A_902 : vector<16xi32> to vector<1x16xi32>
      tpu.vector_store %arg8[%swap3A_904, %swap3A_905], %swap3A_908 {strides = array<i32>} : memref<3x128xi32, #tpu.memory_space<vmem>>, vector<1x16xi32>,
      %mul3A_909 = arith.constant 128 : i32
      %mul3A_910 = arith.muli %add3A_820, %mul3A_909 : i32
      %add3A_911 = arith.constant 64 : i32
      %add3A_912 = arith.addi %mul3A_910, %add3A_911 : i32
      %add3A_913 = vector.broadcast %add3A_912 : i32 to vector<16xi32>
      %add3A_914 = arith.addi %add3A_913, %iota3A : vector<16xi32>
      %rem3A_915 = arith.constant 361 : i32
      %rem3A_916 = vector.broadcast %rem3A_915 : i32 to vector<16xi32>
      %rem3A_917 = arith.remsi %add3A_914, %rem3A_916 : vector<16xi32>
      %mul3A_918 = arith.constant 3 : i32
      %mul3A_919 = vector.broadcast %mul3A_918 : i32 to vector<16xi32>
      %mul3A_920 = arith.muli %rem3A_917, %mul3A_919 : vector<16xi32>
      %get3A_921 = arith.constant 64 : index
      %get3A_922 = tpu.vector_load %arg6[%get3A_921] {strides = array<i32>} : memref<384xi32, #tpu.memory_space<vmem>>, vector<16xi32>,
      %get3A_923 = vector.shape_cast %get3A_922 : vector<16xi32> to vector<16xi32>
      %add3A_924 = arith.addi %mul3A_920, %get3A_923 : vector<16xi32>
      %swap3A_925 = arith.constant 0 : i32
      %swap3A_926 = arith.index_cast %swap3A_925 : i32 to index
      %swap3A_927 = arith.constant 64 : index
      %swap3A_928 = tpu.vector_load %arg8[%swap3A_926, %swap3A_927] {strides = array<i32>} : memref<3x128xi32, #tpu.memory_space<vmem>>, vector<1x16xi32>,
      %swap3A_929 = vector.shape_cast %swap3A_928 : vector<1x16xi32> to vector<16xi32>
      %swap3A_930 = vector.shape_cast %add3A_924 : vector<16xi32> to vector<1x16xi32>
      tpu.vector_store %arg8[%swap3A_926, %swap3A_927], %swap3A_930 {strides = array<i32>} : memref<3x128xi32, #tpu.memory_space<vmem>>, vector<1x16xi32>,
      %mul3A_931 = arith.constant 128 : i32
      %mul3A_932 = arith.muli %add3A_820, %mul3A_931 : i32
      %add3A_933 = arith.constant 80 : i32
      %add3A_934 = arith.addi %mul3A_932, %add3A_933 : i32
      %add3A_935 = vector.broadcast %add3A_934 : i32 to vector<16xi32>
      %add3A_936 = arith.addi %add3A_935, %iota3A : vector<16xi32>
      %rem3A_937 = arith.constant 361 : i32
      %rem3A_938 = vector.broadcast %rem3A_937 : i32 to vector<16xi32>
      %rem3A_939 = arith.remsi %add3A_936, %rem3A_938 : vector<16xi32>
      %mul3A_940 = arith.constant 3 : i32
      %mul3A_941 = vector.broadcast %mul3A_940 : i32 to vector<16xi32>
      %mul3A_942 = arith.muli %rem3A_939, %mul3A_941 : vector<16xi32>
      %get3A_943 = arith.constant 80 : index
      %get3A_944 = tpu.vector_load %arg6[%get3A_943] {strides = array<i32>} : memref<384xi32, #tpu.memory_space<vmem>>, vector<16xi32>,
      %get3A_945 = vector.shape_cast %get3A_944 : vector<16xi32> to vector<16xi32>
      %add3A_946 = arith.addi %mul3A_942, %get3A_945 : vector<16xi32>
      %swap3A_947 = arith.constant 0 : i32
      %swap3A_948 = arith.index_cast %swap3A_947 : i32 to index
      %swap3A_949 = arith.constant 80 : index
      %swap3A_950 = tpu.vector_load %arg8[%swap3A_948, %swap3A_949] {strides = array<i32>} : memref<3x128xi32, #tpu.memory_space<vmem>>, vector<1x16xi32>,
      %swap3A_951 = vector.shape_cast %swap3A_950 : vector<1x16xi32> to vector<16xi32>
      %swap3A_952 = vector.shape_cast %add3A_946 : vector<16xi32> to vector<1x16xi32>
      tpu.vector_store %arg8[%swap3A_948, %swap3A_949], %swap3A_952 {strides = array<i32>} : memref<3x128xi32, #tpu.memory_space<vmem>>, vector<1x16xi32>,
      %mul3A_953 = arith.constant 128 : i32
      %mul3A_954 = arith.muli %add3A_820, %mul3A_953 : i32
      %add3A_955 = arith.constant 96 : i32
      %add3A_956 = arith.addi %mul3A_954, %add3A_955 : i32
      %add3A_957 = vector.broadcast %add3A_956 : i32 to vector<16xi32>
      %add3A_958 = arith.addi %add3A_957, %iota3A : vector<16xi32>
      %rem3A_959 = arith.constant 361 : i32
      %rem3A_960 = vector.broadcast %rem3A_959 : i32 to vector<16xi32>
      %rem3A_961 = arith.remsi %add3A_958, %rem3A_960 : vector<16xi32>
      %mul3A_962 = arith.constant 3 : i32
      %mul3A_963 = vector.broadcast %mul3A_962 : i32 to vector<16xi32>
      %mul3A_964 = arith.muli %rem3A_961, %mul3A_963 : vector<16xi32>
      %get3A_965 = arith.constant 96 : index
      %get3A_966 = tpu.vector_load %arg6[%get3A_965] {strides = array<i32>} : memref<384xi32, #tpu.memory_space<vmem>>, vector<16xi32>,
      %get3A_967 = vector.shape_cast %get3A_966 : vector<16xi32> to vector<16xi32>
      %add3A_968 = arith.addi %mul3A_964, %get3A_967 : vector<16xi32>
      %swap3A_969 = arith.constant 0 : i32
      %swap3A_970 = arith.index_cast %swap3A_969 : i32 to index
      %swap3A_971 = arith.constant 96 : index
      %swap3A_972 = tpu.vector_load %arg8[%swap3A_970, %swap3A_971] {strides = array<i32>} : memref<3x128xi32, #tpu.memory_space<vmem>>, vector<1x16xi32>,
      %swap3A_973 = vector.shape_cast %swap3A_972 : vector<1x16xi32> to vector<16xi32>
      %swap3A_974 = vector.shape_cast %add3A_968 : vector<16xi32> to vector<1x16xi32>
      tpu.vector_store %arg8[%swap3A_970, %swap3A_971], %swap3A_974 {strides = array<i32>} : memref<3x128xi32, #tpu.memory_space<vmem>>, vector<1x16xi32>,
      %mul3A_975 = arith.constant 128 : i32
      %mul3A_976 = arith.muli %add3A_820, %mul3A_975 : i32
      %add3A_977 = arith.constant 112 : i32
      %add3A_978 = arith.addi %mul3A_976, %add3A_977 : i32
      %add3A_979 = vector.broadcast %add3A_978 : i32 to vector<16xi32>
      %add3A_980 = arith.addi %add3A_979, %iota3A : vector<16xi32>
      %rem3A_981 = arith.constant 361 : i32
      %rem3A_982 = vector.broadcast %rem3A_981 : i32 to vector<16xi32>
      %rem3A_983 = arith.remsi %add3A_980, %rem3A_982 : vector<16xi32>
      %mul3A_984 = arith.constant 3 : i32
      %mul3A_985 = vector.broadcast %mul3A_984 : i32 to vector<16xi32>
      %mul3A_986 = arith.muli %rem3A_983, %mul3A_985 : vector<16xi32>
      %get3A_987 = arith.constant 112 : index
      %get3A_988 = tpu.vector_load %arg6[%get3A_987] {strides = array<i32>} : memref<384xi32, #tpu.memory_space<vmem>>, vector<16xi32>,
      %get3A_989 = vector.shape_cast %get3A_988 : vector<16xi32> to vector<16xi32>
      %add3A_990 = arith.addi %mul3A_986, %get3A_989 : vector<16xi32>
      %swap3A_991 = arith.constant 0 : i32
      %swap3A_992 = arith.index_cast %swap3A_991 : i32 to index
      %swap3A_993 = arith.constant 112 : index
      %swap3A_994 = tpu.vector_load %arg8[%swap3A_992, %swap3A_993] {strides = array<i32>} : memref<3x128xi32, #tpu.memory_space<vmem>>, vector<1x16xi32>,
      %swap3A_995 = vector.shape_cast %swap3A_994 : vector<1x16xi32> to vector<16xi32>
      %swap3A_996 = vector.shape_cast %add3A_990 : vector<16xi32> to vector<1x16xi32>
      tpu.vector_store %arg8[%swap3A_992, %swap3A_993], %swap3A_996 {strides = array<i32>} : memref<3x128xi32, #tpu.memory_space<vmem>>, vector<1x16xi32>,
      %dma_start3A_997 = arith.constant 0 : i32
      %dma_start3A_998 = arith.constant 0 : i32
      %dma_start3A_999 = arith.constant 0 : i32
      %dma_start3A_1000 = tpu.memref_slice %arg10[%dma_start3A_998, %dma_start3A_999] : memref<384x128xf32, #tpu.memory_space<vmem>> -> memref<128x128xf32, #tpu.memory_space<vmem>>
      %dma_start3A_1001 = arith.constant 0 : i32
      %dma_start3A_1002 = tpu.memref_slice %arg8[%dma_start3A_997, %dma_start3A_1001] : memref<3x128xi32, #tpu.memory_space<vmem>> -> memref<1x128xi32, #tpu.memory_space<vmem>>
      %dma_start3A_1003 = tpu.memref_squeeze %dma_start3A_1002 : memref<1x128xi32, #tpu.memory_space<vmem>> -> memref<128xi32, #tpu.memory_space<vmem>>
      %dma_start3A_1004 = arith.constant 0 : i32
      %dma_start3A_1005 = arith.constant 0 : i32
      %dma_start3A_1006 = tpu.memref_slice %arg5[%dma_start3A_1004, %dma_start3A_1005] : memref<1083x128xf32, #tpu.memory_space<vmem_shared>> -> memref<1083x128xf32, #tpu.memory_space<vmem_shared>>
      tpu.enqueue_indirect_dma source(%dma_start3A_1006 : memref<1083x128xf32, #tpu.memory_space<vmem_shared>>) target(%dma_start3A_1000 : memref<128x128xf32, #tpu.memory_space<vmem>>) offsets(%dma_start3A_1003 : memref<128xi32, #tpu.memory_space<vmem>>) semaphore(%arg12 : memref<!tpu.dma_semaphore, #tpu.memory_space<semaphore_mem>>)
      %mul3A_1007 = arith.constant 3 : i32
      %mul3A_1008 = arith.muli %add3A_808, %mul3A_1007 : i32
      %add3A_1009 = arith.constant 1 : i32
      %add3A_1010 = arith.addi %mul3A_1008, %add3A_1009 : i32
      %mul3A_1011 = arith.constant 128 : i32
      %mul3A_1012 = arith.muli %add3A_1010, %mul3A_1011 : i32
      %add3A_1013 = arith.constant 0 : i32
      %add3A_1014 = arith.addi %mul3A_1012, %add3A_1013 : i32
      %add3A_1015 = vector.broadcast %add3A_1014 : i32 to vector<16xi32>
      %add3A_1016 = arith.addi %add3A_1015, %iota3A : vector<16xi32>
      %rem3A_1017 = arith.constant 361 : i32
      %rem3A_1018 = vector.broadcast %rem3A_1017 : i32 to vector<16xi32>
      %rem3A_1019 = arith.remsi %add3A_1016, %rem3A_1018 : vector<16xi32>
      %mul3A_1020 = arith.constant 3 : i32
      %mul3A_1021 = vector.broadcast %mul3A_1020 : i32 to vector<16xi32>
      %mul3A_1022 = arith.muli %rem3A_1019, %mul3A_1021 : vector<16xi32>
      %get3A_1023 = arith.constant 128 : index
      %get3A_1024 = tpu.vector_load %arg6[%get3A_1023] {strides = array<i32>} : memref<384xi32, #tpu.memory_space<vmem>>, vector<16xi32>,
      %get3A_1025 = vector.shape_cast %get3A_1024 : vector<16xi32> to vector<16xi32>
      %add3A_1026 = arith.addi %mul3A_1022, %get3A_1025 : vector<16xi32>
      %swap3A_1027 = arith.constant 1 : i32
      %swap3A_1028 = arith.index_cast %swap3A_1027 : i32 to index
      %swap3A_1029 = arith.constant 0 : index
      %swap3A_1030 = tpu.vector_load %arg8[%swap3A_1028, %swap3A_1029] {strides = array<i32>} : memref<3x128xi32, #tpu.memory_space<vmem>>, vector<1x16xi32>,
      %swap3A_1031 = vector.shape_cast %swap3A_1030 : vector<1x16xi32> to vector<16xi32>
      %swap3A_1032 = vector.shape_cast %add3A_1026 : vector<16xi32> to vector<1x16xi32>
      tpu.vector_store %arg8[%swap3A_1028, %swap3A_1029], %swap3A_1032 {strides = array<i32>} : memref<3x128xi32, #tpu.memory_space<vmem>>, vector<1x16xi32>,
      %mul3A_1033 = arith.constant 128 : i32
      %mul3A_1034 = arith.muli %add3A_1010, %mul3A_1033 : i32
      %add3A_1035 = arith.constant 16 : i32
      %add3A_1036 = arith.addi %mul3A_1034, %add3A_1035 : i32
      %add3A_1037 = vector.broadcast %add3A_1036 : i32 to vector<16xi32>
      %add3A_1038 = arith.addi %add3A_1037, %iota3A : vector<16xi32>
      %rem3A_1039 = arith.constant 361 : i32
      %rem3A_1040 = vector.broadcast %rem3A_1039 : i32 to vector<16xi32>
      %rem3A_1041 = arith.remsi %add3A_1038, %rem3A_1040 : vector<16xi32>
      %mul3A_1042 = arith.constant 3 : i32
      %mul3A_1043 = vector.broadcast %mul3A_1042 : i32 to vector<16xi32>
      %mul3A_1044 = arith.muli %rem3A_1041, %mul3A_1043 : vector<16xi32>
      %get3A_1045 = arith.constant 144 : index
      %get3A_1046 = tpu.vector_load %arg6[%get3A_1045] {strides = array<i32>} : memref<384xi32, #tpu.memory_space<vmem>>, vector<16xi32>,
      %get3A_1047 = vector.shape_cast %get3A_1046 : vector<16xi32> to vector<16xi32>
      %add3A_1048 = arith.addi %mul3A_1044, %get3A_1047 : vector<16xi32>
      %swap3A_1049 = arith.constant 1 : i32
      %swap3A_1050 = arith.index_cast %swap3A_1049 : i32 to index
      %swap3A_1051 = arith.constant 16 : index
      %swap3A_1052 = tpu.vector_load %arg8[%swap3A_1050, %swap3A_1051] {strides = array<i32>} : memref<3x128xi32, #tpu.memory_space<vmem>>, vector<1x16xi32>,
      %swap3A_1053 = vector.shape_cast %swap3A_1052 : vector<1x16xi32> to vector<16xi32>
      %swap3A_1054 = vector.shape_cast %add3A_1048 : vector<16xi32> to vector<1x16xi32>
      tpu.vector_store %arg8[%swap3A_1050, %swap3A_1051], %swap3A_1054 {strides = array<i32>} : memref<3x128xi32, #tpu.memory_space<vmem>>, vector<1x16xi32>,
      %mul3A_1055 = arith.constant 128 : i32
      %mul3A_1056 = arith.muli %add3A_1010, %mul3A_1055 : i32
      %add3A_1057 = arith.constant 32 : i32
      %add3A_1058 = arith.addi %mul3A_1056, %add3A_1057 : i32
      %add3A_1059 = vector.broadcast %add3A_1058 : i32 to vector<16xi32>
      %add3A_1060 = arith.addi %add3A_1059, %iota3A : vector<16xi32>
      %rem3A_1061 = arith.constant 361 : i32
      %rem3A_1062 = vector.broadcast %rem3A_1061 : i32 to vector<16xi32>
      %rem3A_1063 = arith.remsi %add3A_1060, %rem3A_1062 : vector<16xi32>
      %mul3A_1064 = arith.constant 3 : i32
      %mul3A_1065 = vector.broadcast %mul3A_1064 : i32 to vector<16xi32>
      %mul3A_1066 = arith.muli %rem3A_1063, %mul3A_1065 : vector<16xi32>
      %get3A_1067 = arith.constant 160 : index
      %get3A_1068 = tpu.vector_load %arg6[%get3A_1067] {strides = array<i32>} : memref<384xi32, #tpu.memory_space<vmem>>, vector<16xi32>,
      %get3A_1069 = vector.shape_cast %get3A_1068 : vector<16xi32> to vector<16xi32>
      %add3A_1070 = arith.addi %mul3A_1066, %get3A_1069 : vector<16xi32>
      %swap3A_1071 = arith.constant 1 : i32
      %swap3A_1072 = arith.index_cast %swap3A_1071 : i32 to index
      %swap3A_1073 = arith.constant 32 : index
      %swap3A_1074 = tpu.vector_load %arg8[%swap3A_1072, %swap3A_1073] {strides = array<i32>} : memref<3x128xi32, #tpu.memory_space<vmem>>, vector<1x16xi32>,
      %swap3A_1075 = vector.shape_cast %swap3A_1074 : vector<1x16xi32> to vector<16xi32>
      %swap3A_1076 = vector.shape_cast %add3A_1070 : vector<16xi32> to vector<1x16xi32>
      tpu.vector_store %arg8[%swap3A_1072, %swap3A_1073], %swap3A_1076 {strides = array<i32>} : memref<3x128xi32, #tpu.memory_space<vmem>>, vector<1x16xi32>,
      %mul3A_1077 = arith.constant 128 : i32
      %mul3A_1078 = arith.muli %add3A_1010, %mul3A_1077 : i32
      %add3A_1079 = arith.constant 48 : i32
      %add3A_1080 = arith.addi %mul3A_1078, %add3A_1079 : i32
      %add3A_1081 = vector.broadcast %add3A_1080 : i32 to vector<16xi32>
      %add3A_1082 = arith.addi %add3A_1081, %iota3A : vector<16xi32>
      %rem3A_1083 = arith.constant 361 : i32
      %rem3A_1084 = vector.broadcast %rem3A_1083 : i32 to vector<16xi32>
      %rem3A_1085 = arith.remsi %add3A_1082, %rem3A_1084 : vector<16xi32>
      %mul3A_1086 = arith.constant 3 : i32
      %mul3A_1087 = vector.broadcast %mul3A_1086 : i32 to vector<16xi32>
      %mul3A_1088 = arith.muli %rem3A_1085, %mul3A_1087 : vector<16xi32>
      %get3A_1089 = arith.constant 176 : index
      %get3A_1090 = tpu.vector_load %arg6[%get3A_1089] {strides = array<i32>} : memref<384xi32, #tpu.memory_space<vmem>>, vector<16xi32>,
      %get3A_1091 = vector.shape_cast %get3A_1090 : vector<16xi32> to vector<16xi32>
      %add3A_1092 = arith.addi %mul3A_1088, %get3A_1091 : vector<16xi32>
      %swap3A_1093 = arith.constant 1 : i32
      %swap3A_1094 = arith.index_cast %swap3A_1093 : i32 to index
      %swap3A_1095 = arith.constant 48 : index
      %swap3A_1096 = tpu.vector_load %arg8[%swap3A_1094, %swap3A_1095] {strides = array<i32>} : memref<3x128xi32, #tpu.memory_space<vmem>>, vector<1x16xi32>,
      %swap3A_1097 = vector.shape_cast %swap3A_1096 : vector<1x16xi32> to vector<16xi32>
      %swap3A_1098 = vector.shape_cast %add3A_1092 : vector<16xi32> to vector<1x16xi32>
      tpu.vector_store %arg8[%swap3A_1094, %swap3A_1095], %swap3A_1098 {strides = array<i32>} : memref<3x128xi32, #tpu.memory_space<vmem>>, vector<1x16xi32>,
      %mul3A_1099 = arith.constant 128 : i32
      %mul3A_1100 = arith.muli %add3A_1010, %mul3A_1099 : i32
      %add3A_1101 = arith.constant 64 : i32
      %add3A_1102 = arith.addi %mul3A_1100, %add3A_1101 : i32
      %add3A_1103 = vector.broadcast %add3A_1102 : i32 to vector<16xi32>
      %add3A_1104 = arith.addi %add3A_1103, %iota3A : vector<16xi32>
      %rem3A_1105 = arith.constant 361 : i32
      %rem3A_1106 = vector.broadcast %rem3A_1105 : i32 to vector<16xi32>
      %rem3A_1107 = arith.remsi %add3A_1104, %rem3A_1106 : vector<16xi32>
      %mul3A_1108 = arith.constant 3 : i32
      %mul3A_1109 = vector.broadcast %mul3A_1108 : i32 to vector<16xi32>
      %mul3A_1110 = arith.muli %rem3A_1107, %mul3A_1109 : vector<16xi32>
      %get3A_1111 = arith.constant 192 : index
      %get3A_1112 = tpu.vector_load %arg6[%get3A_1111] {strides = array<i32>} : memref<384xi32, #tpu.memory_space<vmem>>, vector<16xi32>,
      %get3A_1113 = vector.shape_cast %get3A_1112 : vector<16xi32> to vector<16xi32>
      %add3A_1114 = arith.addi %mul3A_1110, %get3A_1113 : vector<16xi32>
      %swap3A_1115 = arith.constant 1 : i32
      %swap3A_1116 = arith.index_cast %swap3A_1115 : i32 to index
      %swap3A_1117 = arith.constant 64 : index
      %swap3A_1118 = tpu.vector_load %arg8[%swap3A_1116, %swap3A_1117] {strides = array<i32>} : memref<3x128xi32, #tpu.memory_space<vmem>>, vector<1x16xi32>,
      %swap3A_1119 = vector.shape_cast %swap3A_1118 : vector<1x16xi32> to vector<16xi32>
      %swap3A_1120 = vector.shape_cast %add3A_1114 : vector<16xi32> to vector<1x16xi32>
      tpu.vector_store %arg8[%swap3A_1116, %swap3A_1117], %swap3A_1120 {strides = array<i32>} : memref<3x128xi32, #tpu.memory_space<vmem>>, vector<1x16xi32>,
      %mul3A_1121 = arith.constant 128 : i32
      %mul3A_1122 = arith.muli %add3A_1010, %mul3A_1121 : i32
      %add3A_1123 = arith.constant 80 : i32
      %add3A_1124 = arith.addi %mul3A_1122, %add3A_1123 : i32
      %add3A_1125 = vector.broadcast %add3A_1124 : i32 to vector<16xi32>
      %add3A_1126 = arith.addi %add3A_1125, %iota3A : vector<16xi32>
      %rem3A_1127 = arith.constant 361 : i32
      %rem3A_1128 = vector.broadcast %rem3A_1127 : i32 to vector<16xi32>
      %rem3A_1129 = arith.remsi %add3A_1126, %rem3A_1128 : vector<16xi32>
      %mul3A_1130 = arith.constant 3 : i32
      %mul3A_1131 = vector.broadcast %mul3A_1130 : i32 to vector<16xi32>
      %mul3A_1132 = arith.muli %rem3A_1129, %mul3A_1131 : vector<16xi32>
      %get3A_1133 = arith.constant 208 : index
      %get3A_1134 = tpu.vector_load %arg6[%get3A_1133] {strides = array<i32>} : memref<384xi32, #tpu.memory_space<vmem>>, vector<16xi32>,
      %get3A_1135 = vector.shape_cast %get3A_1134 : vector<16xi32> to vector<16xi32>
      %add3A_1136 = arith.addi %mul3A_1132, %get3A_1135 : vector<16xi32>
      %swap3A_1137 = arith.constant 1 : i32
      %swap3A_1138 = arith.index_cast %swap3A_1137 : i32 to index
      %swap3A_1139 = arith.constant 80 : index
      %swap3A_1140 = tpu.vector_load %arg8[%swap3A_1138, %swap3A_1139] {strides = array<i32>} : memref<3x128xi32, #tpu.memory_space<vmem>>, vector<1x16xi32>,
      %swap3A_1141 = vector.shape_cast %swap3A_1140 : vector<1x16xi32> to vector<16xi32>
      %swap3A_1142 = vector.shape_cast %add3A_1136 : vector<16xi32> to vector<1x16xi32>
      tpu.vector_store %arg8[%swap3A_1138, %swap3A_1139], %swap3A_1142 {strides = array<i32>} : memref<3x128xi32, #tpu.memory_space<vmem>>, vector<1x16xi32>,
      %mul3A_1143 = arith.constant 128 : i32
      %mul3A_1144 = arith.muli %add3A_1010, %mul3A_1143 : i32
      %add3A_1145 = arith.constant 96 : i32
      %add3A_1146 = arith.addi %mul3A_1144, %add3A_1145 : i32
      %add3A_1147 = vector.broadcast %add3A_1146 : i32 to vector<16xi32>
      %add3A_1148 = arith.addi %add3A_1147, %iota3A : vector<16xi32>
      %rem3A_1149 = arith.constant 361 : i32
      %rem3A_1150 = vector.broadcast %rem3A_1149 : i32 to vector<16xi32>
      %rem3A_1151 = arith.remsi %add3A_1148, %rem3A_1150 : vector<16xi32>
      %mul3A_1152 = arith.constant 3 : i32
      %mul3A_1153 = vector.broadcast %mul3A_1152 : i32 to vector<16xi32>
      %mul3A_1154 = arith.muli %rem3A_1151, %mul3A_1153 : vector<16xi32>
      %get3A_1155 = arith.constant 224 : index
      %get3A_1156 = tpu.vector_load %arg6[%get3A_1155] {strides = array<i32>} : memref<384xi32, #tpu.memory_space<vmem>>, vector<16xi32>,
      %get3A_1157 = vector.shape_cast %get3A_1156 : vector<16xi32> to vector<16xi32>
      %add3A_1158 = arith.addi %mul3A_1154, %get3A_1157 : vector<16xi32>
      %swap3A_1159 = arith.constant 1 : i32
      %swap3A_1160 = arith.index_cast %swap3A_1159 : i32 to index
      %swap3A_1161 = arith.constant 96 : index
      %swap3A_1162 = tpu.vector_load %arg8[%swap3A_1160, %swap3A_1161] {strides = array<i32>} : memref<3x128xi32, #tpu.memory_space<vmem>>, vector<1x16xi32>,
      %swap3A_1163 = vector.shape_cast %swap3A_1162 : vector<1x16xi32> to vector<16xi32>
      %swap3A_1164 = vector.shape_cast %add3A_1158 : vector<16xi32> to vector<1x16xi32>
      tpu.vector_store %arg8[%swap3A_1160, %swap3A_1161], %swap3A_1164 {strides = array<i32>} : memref<3x128xi32, #tpu.memory_space<vmem>>, vector<1x16xi32>,
      %mul3A_1165 = arith.constant 128 : i32
      %mul3A_1166 = arith.muli %add3A_1010, %mul3A_1165 : i32
      %add3A_1167 = arith.constant 112 : i32
      %add3A_1168 = arith.addi %mul3A_1166, %add3A_1167 : i32
      %add3A_1169 = vector.broadcast %add3A_1168 : i32 to vector<16xi32>
      %add3A_1170 = arith.addi %add3A_1169, %iota3A : vector<16xi32>
      %rem3A_1171 = arith.constant 361 : i32
      %rem3A_1172 = vector.broadcast %rem3A_1171 : i32 to vector<16xi32>
      %rem3A_1173 = arith.remsi %add3A_1170, %rem3A_1172 : vector<16xi32>
      %mul3A_1174 = arith.constant 3 : i32
      %mul3A_1175 = vector.broadcast %mul3A_1174 : i32 to vector<16xi32>
      %mul3A_1176 = arith.muli %rem3A_1173, %mul3A_1175 : vector<16xi32>
      %get3A_1177 = arith.constant 240 : index
      %get3A_1178 = tpu.vector_load %arg6[%get3A_1177] {strides = array<i32>} : memref<384xi32, #tpu.memory_space<vmem>>, vector<16xi32>,
      %get3A_1179 = vector.shape_cast %get3A_1178 : vector<16xi32> to vector<16xi32>
      %add3A_1180 = arith.addi %mul3A_1176, %get3A_1179 : vector<16xi32>
      %swap3A_1181 = arith.constant 1 : i32
      %swap3A_1182 = arith.index_cast %swap3A_1181 : i32 to index
      %swap3A_1183 = arith.constant 112 : index
      %swap3A_1184 = tpu.vector_load %arg8[%swap3A_1182, %swap3A_1183] {strides = array<i32>} : memref<3x128xi32, #tpu.memory_space<vmem>>, vector<1x16xi32>,
      %swap3A_1185 = vector.shape_cast %swap3A_1184 : vector<1x16xi32> to vector<16xi32>
      %swap3A_1186 = vector.shape_cast %add3A_1180 : vector<16xi32> to vector<1x16xi32>
      tpu.vector_store %arg8[%swap3A_1182, %swap3A_1183], %swap3A_1186 {strides = array<i32>} : memref<3x128xi32, #tpu.memory_space<vmem>>, vector<1x16xi32>,
      %dma_start3A_1187 = arith.constant 1 : i32
      %dma_start3A_1188 = arith.constant 128 : i32
      %dma_start3A_1189 = arith.constant 0 : i32
      %dma_start3A_1190 = tpu.memref_slice %arg10[%dma_start3A_1188, %dma_start3A_1189] : memref<384x128xf32, #tpu.memory_space<vmem>> -> memref<128x128xf32, #tpu.memory_space<vmem>>
      %dma_start3A_1191 = arith.constant 0 : i32
      %dma_start3A_1192 = tpu.memref_slice %arg8[%dma_start3A_1187, %dma_start3A_1191] : memref<3x128xi32, #tpu.memory_space<vmem>> -> memref<1x128xi32, #tpu.memory_space<vmem>>
      %dma_start3A_1193 = tpu.memref_squeeze %dma_start3A_1192 : memref<1x128xi32, #tpu.memory_space<vmem>> -> memref<128xi32, #tpu.memory_space<vmem>>
      %dma_start3A_1194 = arith.constant 0 : i32
      %dma_start3A_1195 = arith.constant 0 : i32
      %dma_start3A_1196 = tpu.memref_slice %arg5[%dma_start3A_1194, %dma_start3A_1195] : memref<1083x128xf32, #tpu.memory_space<vmem_shared>> -> memref<1083x128xf32, #tpu.memory_space<vmem_shared>>
      tpu.enqueue_indirect_dma source(%dma_start3A_1196 : memref<1083x128xf32, #tpu.memory_space<vmem_shared>>) target(%dma_start3A_1190 : memref<128x128xf32, #tpu.memory_space<vmem>>) offsets(%dma_start3A_1193 : memref<128xi32, #tpu.memory_space<vmem>>) semaphore(%arg12 : memref<!tpu.dma_semaphore, #tpu.memory_space<semaphore_mem>>)
      %mul3A_1197 = arith.constant 3 : i32
      %mul3A_1198 = arith.muli %add3A_808, %mul3A_1197 : i32
      %add3A_1199 = arith.constant 2 : i32
      %add3A_1200 = arith.addi %mul3A_1198, %add3A_1199 : i32
      %mul3A_1201 = arith.constant 128 : i32
      %mul3A_1202 = arith.muli %add3A_1200, %mul3A_1201 : i32
      %add3A_1203 = arith.constant 0 : i32
      %add3A_1204 = arith.addi %mul3A_1202, %add3A_1203 : i32
      %add3A_1205 = vector.broadcast %add3A_1204 : i32 to vector<16xi32>
      %add3A_1206 = arith.addi %add3A_1205, %iota3A : vector<16xi32>
      %rem3A_1207 = arith.constant 361 : i32
      %rem3A_1208 = vector.broadcast %rem3A_1207 : i32 to vector<16xi32>
      %rem3A_1209 = arith.remsi %add3A_1206, %rem3A_1208 : vector<16xi32>
      %mul3A_1210 = arith.constant 3 : i32
      %mul3A_1211 = vector.broadcast %mul3A_1210 : i32 to vector<16xi32>
      %mul3A_1212 = arith.muli %rem3A_1209, %mul3A_1211 : vector<16xi32>
      %get3A_1213 = arith.constant 256 : index
      %get3A_1214 = tpu.vector_load %arg6[%get3A_1213] {strides = array<i32>} : memref<384xi32, #tpu.memory_space<vmem>>, vector<16xi32>,
      %get3A_1215 = vector.shape_cast %get3A_1214 : vector<16xi32> to vector<16xi32>
      %add3A_1216 = arith.addi %mul3A_1212, %get3A_1215 : vector<16xi32>
      %swap3A_1217 = arith.constant 2 : i32
      %swap3A_1218 = arith.index_cast %swap3A_1217 : i32 to index
      %swap3A_1219 = arith.constant 0 : index
      %swap3A_1220 = tpu.vector_load %arg8[%swap3A_1218, %swap3A_1219] {strides = array<i32>} : memref<3x128xi32, #tpu.memory_space<vmem>>, vector<1x16xi32>,
      %swap3A_1221 = vector.shape_cast %swap3A_1220 : vector<1x16xi32> to vector<16xi32>
      %swap3A_1222 = vector.shape_cast %add3A_1216 : vector<16xi32> to vector<1x16xi32>
      tpu.vector_store %arg8[%swap3A_1218, %swap3A_1219], %swap3A_1222 {strides = array<i32>} : memref<3x128xi32, #tpu.memory_space<vmem>>, vector<1x16xi32>,
      %mul3A_1223 = arith.constant 128 : i32
      %mul3A_1224 = arith.muli %add3A_1200, %mul3A_1223 : i32
      %add3A_1225 = arith.constant 16 : i32
      %add3A_1226 = arith.addi %mul3A_1224, %add3A_1225 : i32
      %add3A_1227 = vector.broadcast %add3A_1226 : i32 to vector<16xi32>
      %add3A_1228 = arith.addi %add3A_1227, %iota3A : vector<16xi32>
      %rem3A_1229 = arith.constant 361 : i32
      %rem3A_1230 = vector.broadcast %rem3A_1229 : i32 to vector<16xi32>
      %rem3A_1231 = arith.remsi %add3A_1228, %rem3A_1230 : vector<16xi32>
      %mul3A_1232 = arith.constant 3 : i32
      %mul3A_1233 = vector.broadcast %mul3A_1232 : i32 to vector<16xi32>
      %mul3A_1234 = arith.muli %rem3A_1231, %mul3A_1233 : vector<16xi32>
      %get3A_1235 = arith.constant 272 : index
      %get3A_1236 = tpu.vector_load %arg6[%get3A_1235] {strides = array<i32>} : memref<384xi32, #tpu.memory_space<vmem>>, vector<16xi32>,
      %get3A_1237 = vector.shape_cast %get3A_1236 : vector<16xi32> to vector<16xi32>
      %add3A_1238 = arith.addi %mul3A_1234, %get3A_1237 : vector<16xi32>
      %swap3A_1239 = arith.constant 2 : i32
      %swap3A_1240 = arith.index_cast %swap3A_1239 : i32 to index
      %swap3A_1241 = arith.constant 16 : index
      %swap3A_1242 = tpu.vector_load %arg8[%swap3A_1240, %swap3A_1241] {strides = array<i32>} : memref<3x128xi32, #tpu.memory_space<vmem>>, vector<1x16xi32>,
      %swap3A_1243 = vector.shape_cast %swap3A_1242 : vector<1x16xi32> to vector<16xi32>
      %swap3A_1244 = vector.shape_cast %add3A_1238 : vector<16xi32> to vector<1x16xi32>
      tpu.vector_store %arg8[%swap3A_1240, %swap3A_1241], %swap3A_1244 {strides = array<i32>} : memref<3x128xi32, #tpu.memory_space<vmem>>, vector<1x16xi32>,
      %mul3A_1245 = arith.constant 128 : i32
      %mul3A_1246 = arith.muli %add3A_1200, %mul3A_1245 : i32
      %add3A_1247 = arith.constant 32 : i32
      %add3A_1248 = arith.addi %mul3A_1246, %add3A_1247 : i32
      %add3A_1249 = vector.broadcast %add3A_1248 : i32 to vector<16xi32>
      %add3A_1250 = arith.addi %add3A_1249, %iota3A : vector<16xi32>
      %rem3A_1251 = arith.constant 361 : i32
      %rem3A_1252 = vector.broadcast %rem3A_1251 : i32 to vector<16xi32>
      %rem3A_1253 = arith.remsi %add3A_1250, %rem3A_1252 : vector<16xi32>
      %mul3A_1254 = arith.constant 3 : i32
      %mul3A_1255 = vector.broadcast %mul3A_1254 : i32 to vector<16xi32>
      %mul3A_1256 = arith.muli %rem3A_1253, %mul3A_1255 : vector<16xi32>
      %get3A_1257 = arith.constant 288 : index
      %get3A_1258 = tpu.vector_load %arg6[%get3A_1257] {strides = array<i32>} : memref<384xi32, #tpu.memory_space<vmem>>, vector<16xi32>,
      %get3A_1259 = vector.shape_cast %get3A_1258 : vector<16xi32> to vector<16xi32>
      %add3A_1260 = arith.addi %mul3A_1256, %get3A_1259 : vector<16xi32>
      %swap3A_1261 = arith.constant 2 : i32
      %swap3A_1262 = arith.index_cast %swap3A_1261 : i32 to index
      %swap3A_1263 = arith.constant 32 : index
      %swap3A_1264 = tpu.vector_load %arg8[%swap3A_1262, %swap3A_1263] {strides = array<i32>} : memref<3x128xi32, #tpu.memory_space<vmem>>, vector<1x16xi32>,
      %swap3A_1265 = vector.shape_cast %swap3A_1264 : vector<1x16xi32> to vector<16xi32>
      %swap3A_1266 = vector.shape_cast %add3A_1260 : vector<16xi32> to vector<1x16xi32>
      tpu.vector_store %arg8[%swap3A_1262, %swap3A_1263], %swap3A_1266 {strides = array<i32>} : memref<3x128xi32, #tpu.memory_space<vmem>>, vector<1x16xi32>,
      %mul3A_1267 = arith.constant 128 : i32
      %mul3A_1268 = arith.muli %add3A_1200, %mul3A_1267 : i32
      %add3A_1269 = arith.constant 48 : i32
      %add3A_1270 = arith.addi %mul3A_1268, %add3A_1269 : i32
      %add3A_1271 = vector.broadcast %add3A_1270 : i32 to vector<16xi32>
      %add3A_1272 = arith.addi %add3A_1271, %iota3A : vector<16xi32>
      %rem3A_1273 = arith.constant 361 : i32
      %rem3A_1274 = vector.broadcast %rem3A_1273 : i32 to vector<16xi32>
      %rem3A_1275 = arith.remsi %add3A_1272, %rem3A_1274 : vector<16xi32>
      %mul3A_1276 = arith.constant 3 : i32
      %mul3A_1277 = vector.broadcast %mul3A_1276 : i32 to vector<16xi32>
      %mul3A_1278 = arith.muli %rem3A_1275, %mul3A_1277 : vector<16xi32>
      %get3A_1279 = arith.constant 304 : index
      %get3A_1280 = tpu.vector_load %arg6[%get3A_1279] {strides = array<i32>} : memref<384xi32, #tpu.memory_space<vmem>>, vector<16xi32>,
      %get3A_1281 = vector.shape_cast %get3A_1280 : vector<16xi32> to vector<16xi32>
      %add3A_1282 = arith.addi %mul3A_1278, %get3A_1281 : vector<16xi32>
      %swap3A_1283 = arith.constant 2 : i32
      %swap3A_1284 = arith.index_cast %swap3A_1283 : i32 to index
      %swap3A_1285 = arith.constant 48 : index
      %swap3A_1286 = tpu.vector_load %arg8[%swap3A_1284, %swap3A_1285] {strides = array<i32>} : memref<3x128xi32, #tpu.memory_space<vmem>>, vector<1x16xi32>,
      %swap3A_1287 = vector.shape_cast %swap3A_1286 : vector<1x16xi32> to vector<16xi32>
      %swap3A_1288 = vector.shape_cast %add3A_1282 : vector<16xi32> to vector<1x16xi32>
      tpu.vector_store %arg8[%swap3A_1284, %swap3A_1285], %swap3A_1288 {strides = array<i32>} : memref<3x128xi32, #tpu.memory_space<vmem>>, vector<1x16xi32>,
      %mul3A_1289 = arith.constant 128 : i32
      %mul3A_1290 = arith.muli %add3A_1200, %mul3A_1289 : i32
      %add3A_1291 = arith.constant 64 : i32
      %add3A_1292 = arith.addi %mul3A_1290, %add3A_1291 : i32
      %add3A_1293 = vector.broadcast %add3A_1292 : i32 to vector<16xi32>
      %add3A_1294 = arith.addi %add3A_1293, %iota3A : vector<16xi32>
      %rem3A_1295 = arith.constant 361 : i32
      %rem3A_1296 = vector.broadcast %rem3A_1295 : i32 to vector<16xi32>
      %rem3A_1297 = arith.remsi %add3A_1294, %rem3A_1296 : vector<16xi32>
      %mul3A_1298 = arith.constant 3 : i32
      %mul3A_1299 = vector.broadcast %mul3A_1298 : i32 to vector<16xi32>
      %mul3A_1300 = arith.muli %rem3A_1297, %mul3A_1299 : vector<16xi32>
      %get3A_1301 = arith.constant 320 : index
      %get3A_1302 = tpu.vector_load %arg6[%get3A_1301] {strides = array<i32>} : memref<384xi32, #tpu.memory_space<vmem>>, vector<16xi32>,
      %get3A_1303 = vector.shape_cast %get3A_1302 : vector<16xi32> to vector<16xi32>
      %add3A_1304 = arith.addi %mul3A_1300, %get3A_1303 : vector<16xi32>
      %swap3A_1305 = arith.constant 2 : i32
      %swap3A_1306 = arith.index_cast %swap3A_1305 : i32 to index
      %swap3A_1307 = arith.constant 64 : index
      %swap3A_1308 = tpu.vector_load %arg8[%swap3A_1306, %swap3A_1307] {strides = array<i32>} : memref<3x128xi32, #tpu.memory_space<vmem>>, vector<1x16xi32>,
      %swap3A_1309 = vector.shape_cast %swap3A_1308 : vector<1x16xi32> to vector<16xi32>
      %swap3A_1310 = vector.shape_cast %add3A_1304 : vector<16xi32> to vector<1x16xi32>
      tpu.vector_store %arg8[%swap3A_1306, %swap3A_1307], %swap3A_1310 {strides = array<i32>} : memref<3x128xi32, #tpu.memory_space<vmem>>, vector<1x16xi32>,
      %mul3A_1311 = arith.constant 128 : i32
      %mul3A_1312 = arith.muli %add3A_1200, %mul3A_1311 : i32
      %add3A_1313 = arith.constant 80 : i32
      %add3A_1314 = arith.addi %mul3A_1312, %add3A_1313 : i32
      %add3A_1315 = vector.broadcast %add3A_1314 : i32 to vector<16xi32>
      %add3A_1316 = arith.addi %add3A_1315, %iota3A : vector<16xi32>
      %rem3A_1317 = arith.constant 361 : i32
      %rem3A_1318 = vector.broadcast %rem3A_1317 : i32 to vector<16xi32>
      %rem3A_1319 = arith.remsi %add3A_1316, %rem3A_1318 : vector<16xi32>
      %mul3A_1320 = arith.constant 3 : i32
      %mul3A_1321 = vector.broadcast %mul3A_1320 : i32 to vector<16xi32>
      %mul3A_1322 = arith.muli %rem3A_1319, %mul3A_1321 : vector<16xi32>
      %get3A_1323 = arith.constant 336 : index
      %get3A_1324 = tpu.vector_load %arg6[%get3A_1323] {strides = array<i32>} : memref<384xi32, #tpu.memory_space<vmem>>, vector<16xi32>,
      %get3A_1325 = vector.shape_cast %get3A_1324 : vector<16xi32> to vector<16xi32>
      %add3A_1326 = arith.addi %mul3A_1322, %get3A_1325 : vector<16xi32>
      %swap3A_1327 = arith.constant 2 : i32
      %swap3A_1328 = arith.index_cast %swap3A_1327 : i32 to index
      %swap3A_1329 = arith.constant 80 : index
      %swap3A_1330 = tpu.vector_load %arg8[%swap3A_1328, %swap3A_1329] {strides = array<i32>} : memref<3x128xi32, #tpu.memory_space<vmem>>, vector<1x16xi32>,
      %swap3A_1331 = vector.shape_cast %swap3A_1330 : vector<1x16xi32> to vector<16xi32>
      %swap3A_1332 = vector.shape_cast %add3A_1326 : vector<16xi32> to vector<1x16xi32>
      tpu.vector_store %arg8[%swap3A_1328, %swap3A_1329], %swap3A_1332 {strides = array<i32>} : memref<3x128xi32, #tpu.memory_space<vmem>>, vector<1x16xi32>,
      %mul3A_1333 = arith.constant 128 : i32
      %mul3A_1334 = arith.muli %add3A_1200, %mul3A_1333 : i32
      %add3A_1335 = arith.constant 96 : i32
      %add3A_1336 = arith.addi %mul3A_1334, %add3A_1335 : i32
      %add3A_1337 = vector.broadcast %add3A_1336 : i32 to vector<16xi32>
      %add3A_1338 = arith.addi %add3A_1337, %iota3A : vector<16xi32>
      %rem3A_1339 = arith.constant 361 : i32
      %rem3A_1340 = vector.broadcast %rem3A_1339 : i32 to vector<16xi32>
      %rem3A_1341 = arith.remsi %add3A_1338, %rem3A_1340 : vector<16xi32>
      %mul3A_1342 = arith.constant 3 : i32
      %mul3A_1343 = vector.broadcast %mul3A_1342 : i32 to vector<16xi32>
      %mul3A_1344 = arith.muli %rem3A_1341, %mul3A_1343 : vector<16xi32>
      %get3A_1345 = arith.constant 352 : index
      %get3A_1346 = tpu.vector_load %arg6[%get3A_1345] {strides = array<i32>} : memref<384xi32, #tpu.memory_space<vmem>>, vector<16xi32>,
      %get3A_1347 = vector.shape_cast %get3A_1346 : vector<16xi32> to vector<16xi32>
      %add3A_1348 = arith.addi %mul3A_1344, %get3A_1347 : vector<16xi32>
      %swap3A_1349 = arith.constant 2 : i32
      %swap3A_1350 = arith.index_cast %swap3A_1349 : i32 to index
      %swap3A_1351 = arith.constant 96 : index
      %swap3A_1352 = tpu.vector_load %arg8[%swap3A_1350, %swap3A_1351] {strides = array<i32>} : memref<3x128xi32, #tpu.memory_space<vmem>>, vector<1x16xi32>,
      %swap3A_1353 = vector.shape_cast %swap3A_1352 : vector<1x16xi32> to vector<16xi32>
      %swap3A_1354 = vector.shape_cast %add3A_1348 : vector<16xi32> to vector<1x16xi32>
      tpu.vector_store %arg8[%swap3A_1350, %swap3A_1351], %swap3A_1354 {strides = array<i32>} : memref<3x128xi32, #tpu.memory_space<vmem>>, vector<1x16xi32>,
      %mul3A_1355 = arith.constant 128 : i32
      %mul3A_1356 = arith.muli %add3A_1200, %mul3A_1355 : i32
      %add3A_1357 = arith.constant 112 : i32
      %add3A_1358 = arith.addi %mul3A_1356, %add3A_1357 : i32
      %add3A_1359 = vector.broadcast %add3A_1358 : i32 to vector<16xi32>
      %add3A_1360 = arith.addi %add3A_1359, %iota3A : vector<16xi32>
      %rem3A_1361 = arith.constant 361 : i32
      %rem3A_1362 = vector.broadcast %rem3A_1361 : i32 to vector<16xi32>
      %rem3A_1363 = arith.remsi %add3A_1360, %rem3A_1362 : vector<16xi32>
      %mul3A_1364 = arith.constant 3 : i32
      %mul3A_1365 = vector.broadcast %mul3A_1364 : i32 to vector<16xi32>
      %mul3A_1366 = arith.muli %rem3A_1363, %mul3A_1365 : vector<16xi32>
      %get3A_1367 = arith.constant 368 : index
      %get3A_1368 = tpu.vector_load %arg6[%get3A_1367] {strides = array<i32>} : memref<384xi32, #tpu.memory_space<vmem>>, vector<16xi32>,
      %get3A_1369 = vector.shape_cast %get3A_1368 : vector<16xi32> to vector<16xi32>
      %add3A_1370 = arith.addi %mul3A_1366, %get3A_1369 : vector<16xi32>
      %swap3A_1371 = arith.constant 2 : i32
      %swap3A_1372 = arith.index_cast %swap3A_1371 : i32 to index
      %swap3A_1373 = arith.constant 112 : index
      %swap3A_1374 = tpu.vector_load %arg8[%swap3A_1372, %swap3A_1373] {strides = array<i32>} : memref<3x128xi32, #tpu.memory_space<vmem>>, vector<1x16xi32>,
      %swap3A_1375 = vector.shape_cast %swap3A_1374 : vector<1x16xi32> to vector<16xi32>
      %swap3A_1376 = vector.shape_cast %add3A_1370 : vector<16xi32> to vector<1x16xi32>
      tpu.vector_store %arg8[%swap3A_1372, %swap3A_1373], %swap3A_1376 {strides = array<i32>} : memref<3x128xi32, #tpu.memory_space<vmem>>, vector<1x16xi32>,
      %dma_start3A_1377 = arith.constant 2 : i32
      %dma_start3A_1378 = arith.constant 256 : i32
      %dma_start3A_1379 = arith.constant 0 : i32
      %dma_start3A_1380 = tpu.memref_slice %arg10[%dma_start3A_1378, %dma_start3A_1379] : memref<384x128xf32, #tpu.memory_space<vmem>> -> memref<128x128xf32, #tpu.memory_space<vmem>>
      %dma_start3A_1381 = arith.constant 0 : i32
      %dma_start3A_1382 = tpu.memref_slice %arg8[%dma_start3A_1377, %dma_start3A_1381] : memref<3x128xi32, #tpu.memory_space<vmem>> -> memref<1x128xi32, #tpu.memory_space<vmem>>
      %dma_start3A_1383 = tpu.memref_squeeze %dma_start3A_1382 : memref<1x128xi32, #tpu.memory_space<vmem>> -> memref<128xi32, #tpu.memory_space<vmem>>
      %dma_start3A_1384 = arith.constant 0 : i32
      %dma_start3A_1385 = arith.constant 0 : i32
      %dma_start3A_1386 = tpu.memref_slice %arg5[%dma_start3A_1384, %dma_start3A_1385] : memref<1083x128xf32, #tpu.memory_space<vmem_shared>> -> memref<1083x128xf32, #tpu.memory_space<vmem_shared>>
      tpu.enqueue_indirect_dma source(%dma_start3A_1386 : memref<1083x128xf32, #tpu.memory_space<vmem_shared>>) target(%dma_start3A_1380 : memref<128x128xf32, #tpu.memory_space<vmem>>) offsets(%dma_start3A_1383 : memref<128xi32, #tpu.memory_space<vmem>>) semaphore(%arg12 : memref<!tpu.dma_semaphore, #tpu.memory_space<semaphore_mem>>)
      %dma_wait3A_1387 = arith.constant 0 : i32
      %dma_wait3A_1388 = arith.constant 0 : i32
      %dma_wait3A_1389 = arith.constant 0 : i32
      %dma_wait3A_1390 = tpu.memref_slice %arg10[%dma_wait3A_1388, %dma_wait3A_1389] : memref<384x128xf32, #tpu.memory_space<vmem>> -> memref<128x128xf32, #tpu.memory_space<vmem>>
      %dma_wait3A_1391 = arith.constant 0 : i32
      %dma_wait3A_1392 = tpu.memref_slice %arg8[%dma_wait3A_1387, %dma_wait3A_1391] : memref<3x128xi32, #tpu.memory_space<vmem>> -> memref<1x128xi32, #tpu.memory_space<vmem>>
      %dma_wait3A_1393 = tpu.memref_squeeze %dma_wait3A_1392 : memref<1x128xi32, #tpu.memory_space<vmem>> -> memref<128xi32, #tpu.memory_space<vmem>>
      %dma_wait3A_1394 = arith.constant 0 : i32
      %dma_wait3A_1395 = arith.constant 0 : i32
      %dma_wait3A_1396 = tpu.memref_slice %arg5[%dma_wait3A_1394, %dma_wait3A_1395] : memref<1083x128xf32, #tpu.memory_space<vmem_shared>> -> memref<1083x128xf32, #tpu.memory_space<vmem_shared>>
      tpu.wait_indirect_dma semaphore(%arg12 : memref<!tpu.dma_semaphore, #tpu.memory_space<semaphore_mem>>) src(%dma_wait3A_1396 : memref<1083x128xf32, #tpu.memory_space<vmem_shared>>) dst(%dma_wait3A_1390 : memref<128x128xf32, #tpu.memory_space<vmem>>)
      %dma_wait3A_1397 = arith.constant 1 : i32
      %dma_wait3A_1398 = arith.constant 128 : i32
      %dma_wait3A_1399 = arith.constant 0 : i32
      %dma_wait3A_1400 = tpu.memref_slice %arg10[%dma_wait3A_1398, %dma_wait3A_1399] : memref<384x128xf32, #tpu.memory_space<vmem>> -> memref<128x128xf32, #tpu.memory_space<vmem>>
      %dma_wait3A_1401 = arith.constant 0 : i32
      %dma_wait3A_1402 = tpu.memref_slice %arg8[%dma_wait3A_1397, %dma_wait3A_1401] : memref<3x128xi32, #tpu.memory_space<vmem>> -> memref<1x128xi32, #tpu.memory_space<vmem>>
      %dma_wait3A_1403 = tpu.memref_squeeze %dma_wait3A_1402 : memref<1x128xi32, #tpu.memory_space<vmem>> -> memref<128xi32, #tpu.memory_space<vmem>>
      %dma_wait3A_1404 = arith.constant 0 : i32
      %dma_wait3A_1405 = arith.constant 0 : i32
      %dma_wait3A_1406 = tpu.memref_slice %arg5[%dma_wait3A_1404, %dma_wait3A_1405] : memref<1083x128xf32, #tpu.memory_space<vmem_shared>> -> memref<1083x128xf32, #tpu.memory_space<vmem_shared>>
      tpu.wait_indirect_dma semaphore(%arg12 : memref<!tpu.dma_semaphore, #tpu.memory_space<semaphore_mem>>) src(%dma_wait3A_1406 : memref<1083x128xf32, #tpu.memory_space<vmem_shared>>) dst(%dma_wait3A_1400 : memref<128x128xf32, #tpu.memory_space<vmem>>)
      %dma_wait3A_1407 = arith.constant 2 : i32
      %dma_wait3A_1408 = arith.constant 256 : i32
      %dma_wait3A_1409 = arith.constant 0 : i32
      %dma_wait3A_1410 = tpu.memref_slice %arg10[%dma_wait3A_1408, %dma_wait3A_1409] : memref<384x128xf32, #tpu.memory_space<vmem>> -> memref<128x128xf32, #tpu.memory_space<vmem>>
      %dma_wait3A_1411 = arith.constant 0 : i32
      %dma_wait3A_1412 = tpu.memref_slice %arg8[%dma_wait3A_1407, %dma_wait3A_1411] : memref<3x128xi32, #tpu.memory_space<vmem>> -> memref<1x128xi32, #tpu.memory_space<vmem>>
      %dma_wait3A_1413 = tpu.memref_squeeze %dma_wait3A_1412 : memref<1x128xi32, #tpu.memory_space<vmem>> -> memref<128xi32, #tpu.memory_space<vmem>>
      %dma_wait3A_1414 = arith.constant 0 : i32
      %dma_wait3A_1415 = arith.constant 0 : i32
      %dma_wait3A_1416 = tpu.memref_slice %arg5[%dma_wait3A_1414, %dma_wait3A_1415] : memref<1083x128xf32, #tpu.memory_space<vmem_shared>> -> memref<1083x128xf32, #tpu.memory_space<vmem_shared>>
      tpu.wait_indirect_dma semaphore(%arg12 : memref<!tpu.dma_semaphore, #tpu.memory_space<semaphore_mem>>) src(%dma_wait3A_1416 : memref<1083x128xf32, #tpu.memory_space<vmem_shared>>) dst(%dma_wait3A_1410 : memref<128x128xf32, #tpu.memory_space<vmem>>)
      %dma_start3A_1417 = arith.constant 0 : i32
      %dma_start3A_1418 = tpu.memref_slice %arg4[%add3A_811, %dma_start3A_1417] : memref<1478656x128xf32, #tpu.memory_space<hbm>> -> memref<384x128xf32, #tpu.memory_space<hbm>>
      %dma_start3A_1419 = arith.constant 0 : i32
      %dma_start3A_1420 = tpu.memref_slice %arg4[%add3A_811, %dma_start3A_1419] : memref<1478656x128xf32, #tpu.memory_space<hbm>> -> memref<384x128xf32, #tpu.memory_space<hbm>>
      tpu.enqueue_dma source(%arg10 : memref<384x128xf32, #tpu.memory_space<vmem>>) target(%dma_start3A_1420 : memref<384x128xf32, #tpu.memory_space<hbm>>) target_semaphore(%arg14 : memref<!tpu.dma_semaphore, #tpu.memory_space<semaphore_mem>>)
    }
    %scan3A_9 = arith.constant 60 : i32
    %dma_wait3A = arith.constant 0 : i32
    %dma_wait3A_10 = arith.constant 0 : i32
    %dma_wait3A_11 = tpu.memref_slice %arg4[%dma_wait3A, %dma_wait3A_10] : memref<1478656x128xf32, #tpu.memory_space<hbm>> -> memref<384x128xf32, #tpu.memory_space<hbm>>
    %dma_wait3A_12 = arith.constant 0 : i32
    %dma_wait3A_13 = arith.constant 0 : i32
    %dma_wait3A_14 = tpu.memref_slice %arg4[%dma_wait3A_12, %dma_wait3A_13] : memref<1478656x128xf32, #tpu.memory_space<hbm>> -> memref<384x128xf32, #tpu.memory_space<hbm>>
    tpu.wait_dma2 semaphore(%arg13 : memref<!tpu.dma_semaphore, #tpu.memory_space<semaphore_mem>>) src(%arg9 : memref<384x128xf32, #tpu.memory_space<vmem>>) dst(%dma_wait3A_14 : memref<384x128xf32, #tpu.memory_space<hbm>>)
    %dma_wait3A_15 = arith.constant 0 : i32
    %dma_wait3A_16 = arith.constant 0 : i32
    %dma_wait3A_17 = tpu.memref_slice %arg4[%dma_wait3A_15, %dma_wait3A_16] : memref<1478656x128xf32, #tpu.memory_space<hbm>> -> memref<384x128xf32, #tpu.memory_space<hbm>>
    %dma_wait3A_18 = arith.constant 0 : i32
    %dma_wait3A_19 = arith.constant 0 : i32
    %dma_wait3A_20 = tpu.memref_slice %arg4[%dma_wait3A_18, %dma_wait3A_19] : memref<1478656x128xf32, #tpu.memory_space<hbm>> -> memref<384x128xf32, #tpu.memory_space<hbm>>
    tpu.wait_dma2 semaphore(%arg14 : memref<!tpu.dma_semaphore, #tpu.memory_space<semaphore_mem>>) src(%arg10 : memref<384x128xf32, #tpu.memory_space<vmem>>) dst(%dma_wait3A_20 : memref<384x128xf32, #tpu.memory_space<hbm>>)
    %add3A_21 = arith.constant 46080 : i32
    %add3A_22 = arith.addi %mul3A_2, %add3A_21 : i32
    "tpu.region"() ({
      %run_scoped3A = tpu.sem_alloc : memref<!tpu.dma_semaphore, #tpu.memory_space<semaphore_mem>>
      %dma_start3A_191 = arith.constant 0 : i32
      %dma_start3A_192 = tpu.memref_slice %arg6[%dma_start3A_191] : memref<384xi32, #tpu.memory_space<vmem>> -> memref<128xi32, #tpu.memory_space<vmem>>
      %dma_start3A_193 = tpu.memref_slice %arg2[%add3A_22] : memref<1478656xi32, #tpu.memory_space<hbm>> -> memref<128xi32, #tpu.memory_space<hbm>>
      %dma_start3A_194 = arith.constant 0 : i32
      %dma_start3A_195 = tpu.memref_slice %arg6[%dma_start3A_194] : memref<384xi32, #tpu.memory_space<vmem>> -> memref<128xi32, #tpu.memory_space<vmem>>
      %dma_start3A_196 = tpu.memref_slice %arg2[%add3A_22] : memref<1478656xi32, #tpu.memory_space<hbm>> -> memref<128xi32, #tpu.memory_space<hbm>>
      tpu.enqueue_dma source(%dma_start3A_196 : memref<128xi32, #tpu.memory_space<hbm>>) target(%dma_start3A_195 : memref<128xi32, #tpu.memory_space<vmem>>) target_semaphore(%run_scoped3A : memref<!tpu.dma_semaphore, #tpu.memory_space<semaphore_mem>>)
      %dma_wait3A_197 = arith.constant 0 : i32
      %dma_wait3A_198 = tpu.memref_slice %arg6[%dma_wait3A_197] : memref<384xi32, #tpu.memory_space<vmem>> -> memref<128xi32, #tpu.memory_space<vmem>>
      %dma_wait3A_199 = tpu.memref_slice %arg2[%add3A_22] : memref<1478656xi32, #tpu.memory_space<hbm>> -> memref<128xi32, #tpu.memory_space<hbm>>
      %dma_wait3A_200 = arith.constant 0 : i32
      %dma_wait3A_201 = tpu.memref_slice %arg6[%dma_wait3A_200] : memref<384xi32, #tpu.memory_space<vmem>> -> memref<128xi32, #tpu.memory_space<vmem>>
      %dma_wait3A_202 = tpu.memref_slice %arg2[%add3A_22] : memref<1478656xi32, #tpu.memory_space<hbm>> -> memref<128xi32, #tpu.memory_space<hbm>>
      tpu.wait_dma2 semaphore(%run_scoped3A : memref<!tpu.dma_semaphore, #tpu.memory_space<semaphore_mem>>) src(%dma_wait3A_202 : memref<128xi32, #tpu.memory_space<hbm>>) dst(%dma_wait3A_201 : memref<128xi32, #tpu.memory_space<vmem>>)
      tpu.yield
    }) : () -> ()
    %add3A_23 = arith.constant 46080 : i32
    %add3A_24 = vector.broadcast %add3A_23 : i32 to vector<16xi32>
    %add3A_25 = arith.addi %add3A_24, %iota3A : vector<16xi32>
    %rem3A = arith.constant 361 : i32
    %rem3A_26 = vector.broadcast %rem3A : i32 to vector<16xi32>
    %rem3A_27 = arith.remsi %add3A_25, %rem3A_26 : vector<16xi32>
    %mul3A_28 = arith.constant 3 : i32
    %mul3A_29 = vector.broadcast %mul3A_28 : i32 to vector<16xi32>
    %mul3A_30 = arith.muli %rem3A_27, %mul3A_29 : vector<16xi32>
    %get3A = arith.constant 0 : index
    %get3A_31 = tpu.vector_load %arg6[%get3A] {strides = array<i32>} : memref<384xi32, #tpu.memory_space<vmem>>, vector<16xi32>,
    %get3A_32 = vector.shape_cast %get3A_31 : vector<16xi32> to vector<16xi32>
    %add3A_33 = arith.addi %mul3A_30, %get3A_32 : vector<16xi32>
    %swap3A = arith.constant 0 : i32
    %swap3A_34 = arith.index_cast %swap3A : i32 to index
    %swap3A_35 = arith.constant 0 : index
    %swap3A_36 = tpu.vector_load %arg7[%swap3A_34, %swap3A_35] {strides = array<i32>} : memref<3x128xi32, #tpu.memory_space<vmem>>, vector<1x16xi32>,
    %swap3A_37 = vector.shape_cast %swap3A_36 : vector<1x16xi32> to vector<16xi32>
    %swap3A_38 = vector.shape_cast %add3A_33 : vector<16xi32> to vector<1x16xi32>
    tpu.vector_store %arg7[%swap3A_34, %swap3A_35], %swap3A_38 {strides = array<i32>} : memref<3x128xi32, #tpu.memory_space<vmem>>, vector<1x16xi32>,
    %add3A_39 = arith.constant 46096 : i32
    %add3A_40 = vector.broadcast %add3A_39 : i32 to vector<16xi32>
    %add3A_41 = arith.addi %add3A_40, %iota3A : vector<16xi32>
    %rem3A_42 = arith.constant 361 : i32
    %rem3A_43 = vector.broadcast %rem3A_42 : i32 to vector<16xi32>
    %rem3A_44 = arith.remsi %add3A_41, %rem3A_43 : vector<16xi32>
    %mul3A_45 = arith.constant 3 : i32
    %mul3A_46 = vector.broadcast %mul3A_45 : i32 to vector<16xi32>
    %mul3A_47 = arith.muli %rem3A_44, %mul3A_46 : vector<16xi32>
    %get3A_48 = arith.constant 16 : index
    %get3A_49 = tpu.vector_load %arg6[%get3A_48] {strides = array<i32>} : memref<384xi32, #tpu.memory_space<vmem>>, vector<16xi32>,
    %get3A_50 = vector.shape_cast %get3A_49 : vector<16xi32> to vector<16xi32>
    %add3A_51 = arith.addi %mul3A_47, %get3A_50 : vector<16xi32>
    %swap3A_52 = arith.constant 0 : i32
    %swap3A_53 = arith.index_cast %swap3A_52 : i32 to index
    %swap3A_54 = arith.constant 16 : index
    %swap3A_55 = tpu.vector_load %arg7[%swap3A_53, %swap3A_54] {strides = array<i32>} : memref<3x128xi32, #tpu.memory_space<vmem>>, vector<1x16xi32>,
    %swap3A_56 = vector.shape_cast %swap3A_55 : vector<1x16xi32> to vector<16xi32>
    %swap3A_57 = vector.shape_cast %add3A_51 : vector<16xi32> to vector<1x16xi32>
    tpu.vector_store %arg7[%swap3A_53, %swap3A_54], %swap3A_57 {strides = array<i32>} : memref<3x128xi32, #tpu.memory_space<vmem>>, vector<1x16xi32>,
    %add3A_58 = arith.constant 46112 : i32
    %add3A_59 = vector.broadcast %add3A_58 : i32 to vector<16xi32>
    %add3A_60 = arith.addi %add3A_59, %iota3A : vector<16xi32>
    %rem3A_61 = arith.constant 361 : i32
    %rem3A_62 = vector.broadcast %rem3A_61 : i32 to vector<16xi32>
    %rem3A_63 = arith.remsi %add3A_60, %rem3A_62 : vector<16xi32>
    %mul3A_64 = arith.constant 3 : i32
    %mul3A_65 = vector.broadcast %mul3A_64 : i32 to vector<16xi32>
    %mul3A_66 = arith.muli %rem3A_63, %mul3A_65 : vector<16xi32>
    %get3A_67 = arith.constant 32 : index
    %get3A_68 = tpu.vector_load %arg6[%get3A_67] {strides = array<i32>} : memref<384xi32, #tpu.memory_space<vmem>>, vector<16xi32>,
    %get3A_69 = vector.shape_cast %get3A_68 : vector<16xi32> to vector<16xi32>
    %add3A_70 = arith.addi %mul3A_66, %get3A_69 : vector<16xi32>
    %swap3A_71 = arith.constant 0 : i32
    %swap3A_72 = arith.index_cast %swap3A_71 : i32 to index
    %swap3A_73 = arith.constant 32 : index
    %swap3A_74 = tpu.vector_load %arg7[%swap3A_72, %swap3A_73] {strides = array<i32>} : memref<3x128xi32, #tpu.memory_space<vmem>>, vector<1x16xi32>,
    %swap3A_75 = vector.shape_cast %swap3A_74 : vector<1x16xi32> to vector<16xi32>
    %swap3A_76 = vector.shape_cast %add3A_70 : vector<16xi32> to vector<1x16xi32>
    tpu.vector_store %arg7[%swap3A_72, %swap3A_73], %swap3A_76 {strides = array<i32>} : memref<3x128xi32, #tpu.memory_space<vmem>>, vector<1x16xi32>,
    %add3A_77 = arith.constant 46128 : i32
    %add3A_78 = vector.broadcast %add3A_77 : i32 to vector<16xi32>
    %add3A_79 = arith.addi %add3A_78, %iota3A : vector<16xi32>
    %rem3A_80 = arith.constant 361 : i32
    %rem3A_81 = vector.broadcast %rem3A_80 : i32 to vector<16xi32>
    %rem3A_82 = arith.remsi %add3A_79, %rem3A_81 : vector<16xi32>
    %mul3A_83 = arith.constant 3 : i32
    %mul3A_84 = vector.broadcast %mul3A_83 : i32 to vector<16xi32>
    %mul3A_85 = arith.muli %rem3A_82, %mul3A_84 : vector<16xi32>
    %get3A_86 = arith.constant 48 : index
    %get3A_87 = tpu.vector_load %arg6[%get3A_86] {strides = array<i32>} : memref<384xi32, #tpu.memory_space<vmem>>, vector<16xi32>,
    %get3A_88 = vector.shape_cast %get3A_87 : vector<16xi32> to vector<16xi32>
    %add3A_89 = arith.addi %mul3A_85, %get3A_88 : vector<16xi32>
    %swap3A_90 = arith.constant 0 : i32
    %swap3A_91 = arith.index_cast %swap3A_90 : i32 to index
    %swap3A_92 = arith.constant 48 : index
    %swap3A_93 = tpu.vector_load %arg7[%swap3A_91, %swap3A_92] {strides = array<i32>} : memref<3x128xi32, #tpu.memory_space<vmem>>, vector<1x16xi32>,
    %swap3A_94 = vector.shape_cast %swap3A_93 : vector<1x16xi32> to vector<16xi32>
    %swap3A_95 = vector.shape_cast %add3A_89 : vector<16xi32> to vector<1x16xi32>
    tpu.vector_store %arg7[%swap3A_91, %swap3A_92], %swap3A_95 {strides = array<i32>} : memref<3x128xi32, #tpu.memory_space<vmem>>, vector<1x16xi32>,
    %add3A_96 = arith.constant 46144 : i32
    %add3A_97 = vector.broadcast %add3A_96 : i32 to vector<16xi32>
    %add3A_98 = arith.addi %add3A_97, %iota3A : vector<16xi32>
    %rem3A_99 = arith.constant 361 : i32
    %rem3A_100 = vector.broadcast %rem3A_99 : i32 to vector<16xi32>
    %rem3A_101 = arith.remsi %add3A_98, %rem3A_100 : vector<16xi32>
    %mul3A_102 = arith.constant 3 : i32
    %mul3A_103 = vector.broadcast %mul3A_102 : i32 to vector<16xi32>
    %mul3A_104 = arith.muli %rem3A_101, %mul3A_103 : vector<16xi32>
    %get3A_105 = arith.constant 64 : index
    %get3A_106 = tpu.vector_load %arg6[%get3A_105] {strides = array<i32>} : memref<384xi32, #tpu.memory_space<vmem>>, vector<16xi32>,
    %get3A_107 = vector.shape_cast %get3A_106 : vector<16xi32> to vector<16xi32>
    %add3A_108 = arith.addi %mul3A_104, %get3A_107 : vector<16xi32>
    %swap3A_109 = arith.constant 0 : i32
    %swap3A_110 = arith.index_cast %swap3A_109 : i32 to index
    %swap3A_111 = arith.constant 64 : index
    %swap3A_112 = tpu.vector_load %arg7[%swap3A_110, %swap3A_111] {strides = array<i32>} : memref<3x128xi32, #tpu.memory_space<vmem>>, vector<1x16xi32>,
    %swap3A_113 = vector.shape_cast %swap3A_112 : vector<1x16xi32> to vector<16xi32>
    %swap3A_114 = vector.shape_cast %add3A_108 : vector<16xi32> to vector<1x16xi32>
    tpu.vector_store %arg7[%swap3A_110, %swap3A_111], %swap3A_114 {strides = array<i32>} : memref<3x128xi32, #tpu.memory_space<vmem>>, vector<1x16xi32>,
    %add3A_115 = arith.constant 46160 : i32
    %add3A_116 = vector.broadcast %add3A_115 : i32 to vector<16xi32>
    %add3A_117 = arith.addi %add3A_116, %iota3A : vector<16xi32>
    %rem3A_118 = arith.constant 361 : i32
    %rem3A_119 = vector.broadcast %rem3A_118 : i32 to vector<16xi32>
    %rem3A_120 = arith.remsi %add3A_117, %rem3A_119 : vector<16xi32>
    %mul3A_121 = arith.constant 3 : i32
    %mul3A_122 = vector.broadcast %mul3A_121 : i32 to vector<16xi32>
    %mul3A_123 = arith.muli %rem3A_120, %mul3A_122 : vector<16xi32>
    %get3A_124 = arith.constant 80 : index
    %get3A_125 = tpu.vector_load %arg6[%get3A_124] {strides = array<i32>} : memref<384xi32, #tpu.memory_space<vmem>>, vector<16xi32>,
    %get3A_126 = vector.shape_cast %get3A_125 : vector<16xi32> to vector<16xi32>
    %add3A_127 = arith.addi %mul3A_123, %get3A_126 : vector<16xi32>
    %swap3A_128 = arith.constant 0 : i32
    %swap3A_129 = arith.index_cast %swap3A_128 : i32 to index
    %swap3A_130 = arith.constant 80 : index
    %swap3A_131 = tpu.vector_load %arg7[%swap3A_129, %swap3A_130] {strides = array<i32>} : memref<3x128xi32, #tpu.memory_space<vmem>>, vector<1x16xi32>,
    %swap3A_132 = vector.shape_cast %swap3A_131 : vector<1x16xi32> to vector<16xi32>
    %swap3A_133 = vector.shape_cast %add3A_127 : vector<16xi32> to vector<1x16xi32>
    tpu.vector_store %arg7[%swap3A_129, %swap3A_130], %swap3A_133 {strides = array<i32>} : memref<3x128xi32, #tpu.memory_space<vmem>>, vector<1x16xi32>,
    %add3A_134 = arith.constant 46176 : i32
    %add3A_135 = vector.broadcast %add3A_134 : i32 to vector<16xi32>
    %add3A_136 = arith.addi %add3A_135, %iota3A : vector<16xi32>
    %rem3A_137 = arith.constant 361 : i32
    %rem3A_138 = vector.broadcast %rem3A_137 : i32 to vector<16xi32>
    %rem3A_139 = arith.remsi %add3A_136, %rem3A_138 : vector<16xi32>
    %mul3A_140 = arith.constant 3 : i32
    %mul3A_141 = vector.broadcast %mul3A_140 : i32 to vector<16xi32>
    %mul3A_142 = arith.muli %rem3A_139, %mul3A_141 : vector<16xi32>
    %get3A_143 = arith.constant 96 : index
    %get3A_144 = tpu.vector_load %arg6[%get3A_143] {strides = array<i32>} : memref<384xi32, #tpu.memory_space<vmem>>, vector<16xi32>,
    %get3A_145 = vector.shape_cast %get3A_144 : vector<16xi32> to vector<16xi32>
    %add3A_146 = arith.addi %mul3A_142, %get3A_145 : vector<16xi32>
    %swap3A_147 = arith.constant 0 : i32
    %swap3A_148 = arith.index_cast %swap3A_147 : i32 to index
    %swap3A_149 = arith.constant 96 : index
    %swap3A_150 = tpu.vector_load %arg7[%swap3A_148, %swap3A_149] {strides = array<i32>} : memref<3x128xi32, #tpu.memory_space<vmem>>, vector<1x16xi32>,
    %swap3A_151 = vector.shape_cast %swap3A_150 : vector<1x16xi32> to vector<16xi32>
    %swap3A_152 = vector.shape_cast %add3A_146 : vector<16xi32> to vector<1x16xi32>
    tpu.vector_store %arg7[%swap3A_148, %swap3A_149], %swap3A_152 {strides = array<i32>} : memref<3x128xi32, #tpu.memory_space<vmem>>, vector<1x16xi32>,
    %add3A_153 = arith.constant 46192 : i32
    %add3A_154 = vector.broadcast %add3A_153 : i32 to vector<16xi32>
    %add3A_155 = arith.addi %add3A_154, %iota3A : vector<16xi32>
    %rem3A_156 = arith.constant 361 : i32
    %rem3A_157 = vector.broadcast %rem3A_156 : i32 to vector<16xi32>
    %rem3A_158 = arith.remsi %add3A_155, %rem3A_157 : vector<16xi32>
    %mul3A_159 = arith.constant 3 : i32
    %mul3A_160 = vector.broadcast %mul3A_159 : i32 to vector<16xi32>
    %mul3A_161 = arith.muli %rem3A_158, %mul3A_160 : vector<16xi32>
    %get3A_162 = arith.constant 112 : index
    %get3A_163 = tpu.vector_load %arg6[%get3A_162] {strides = array<i32>} : memref<384xi32, #tpu.memory_space<vmem>>, vector<16xi32>,
    %get3A_164 = vector.shape_cast %get3A_163 : vector<16xi32> to vector<16xi32>
    %add3A_165 = arith.addi %mul3A_161, %get3A_164 : vector<16xi32>
    %swap3A_166 = arith.constant 0 : i32
    %swap3A_167 = arith.index_cast %swap3A_166 : i32 to index
    %swap3A_168 = arith.constant 112 : index
    %swap3A_169 = tpu.vector_load %arg7[%swap3A_167, %swap3A_168] {strides = array<i32>} : memref<3x128xi32, #tpu.memory_space<vmem>>, vector<1x16xi32>,
    %swap3A_170 = vector.shape_cast %swap3A_169 : vector<1x16xi32> to vector<16xi32>
    %swap3A_171 = vector.shape_cast %add3A_165 : vector<16xi32> to vector<1x16xi32>
    tpu.vector_store %arg7[%swap3A_167, %swap3A_168], %swap3A_171 {strides = array<i32>} : memref<3x128xi32, #tpu.memory_space<vmem>>, vector<1x16xi32>,
    %dma_start3A = arith.constant 0 : i32
    %dma_start3A_172 = arith.constant 0 : i32
    %dma_start3A_173 = arith.constant 0 : i32
    %dma_start3A_174 = tpu.memref_slice %arg9[%dma_start3A_172, %dma_start3A_173] : memref<384x128xf32, #tpu.memory_space<vmem>> -> memref<128x128xf32, #tpu.memory_space<vmem>>
    %dma_start3A_175 = arith.constant 0 : i32
    %dma_start3A_176 = tpu.memref_slice %arg7[%dma_start3A, %dma_start3A_175] : memref<3x128xi32, #tpu.memory_space<vmem>> -> memref<1x128xi32, #tpu.memory_space<vmem>>
    %dma_start3A_177 = tpu.memref_squeeze %dma_start3A_176 : memref<1x128xi32, #tpu.memory_space<vmem>> -> memref<128xi32, #tpu.memory_space<vmem>>
    %dma_start3A_178 = arith.constant 0 : i32
    %dma_start3A_179 = arith.constant 0 : i32
    %dma_start3A_180 = tpu.memref_slice %arg5[%dma_start3A_178, %dma_start3A_179] : memref<1083x128xf32, #tpu.memory_space<vmem_shared>> -> memref<1083x128xf32, #tpu.memory_space<vmem_shared>>
    tpu.enqueue_indirect_dma source(%dma_start3A_180 : memref<1083x128xf32, #tpu.memory_space<vmem_shared>>) target(%dma_start3A_174 : memref<128x128xf32, #tpu.memory_space<vmem>>) offsets(%dma_start3A_177 : memref<128xi32, #tpu.memory_space<vmem>>) semaphore(%arg11 : memref<!tpu.dma_semaphore, #tpu.memory_space<semaphore_mem>>)
    %dma_wait3A_181 = arith.constant 0 : i32
    %dma_wait3A_182 = arith.constant 0 : i32
    %dma_wait3A_183 = arith.constant 0 : i32
    %dma_wait3A_184 = tpu.memref_slice %arg9[%dma_wait3A_182, %dma_wait3A_183] : memref<384x128xf32, #tpu.memory_space<vmem>> -> memref<128x128xf32, #tpu.memory_space<vmem>>
    %dma_wait3A_185 = arith.constant 0 : i32
    %dma_wait3A_186 = tpu.memref_slice %arg7[%dma_wait3A_181, %dma_wait3A_185] : memref<3x128xi32, #tpu.memory_space<vmem>> -> memref<1x128xi32, #tpu.memory_space<vmem>>
    %dma_wait3A_187 = tpu.memref_squeeze %dma_wait3A_186 : memref<1x128xi32, #tpu.memory_space<vmem>> -> memref<128xi32, #tpu.memory_space<vmem>>
    %dma_wait3A_188 = arith.constant 0 : i32
    %dma_wait3A_189 = arith.constant 0 : i32
    %dma_wait3A_190 = tpu.memref_slice %arg5[%dma_wait3A_188, %dma_wait3A_189] : memref<1083x128xf32, #tpu.memory_space<vmem_shared>> -> memref<1083x128xf32, #tpu.memory_space<vmem_shared>>
    tpu.wait_indirect_dma semaphore(%arg11 : memref<!tpu.dma_semaphore, #tpu.memory_space<semaphore_mem>>) src(%dma_wait3A_190 : memref<1083x128xf32, #tpu.memory_space<vmem_shared>>) dst(%dma_wait3A_184 : memref<128x128xf32, #tpu.memory_space<vmem>>)
    "tpu.region"() ({
      %run_scoped3A = tpu.sem_alloc : memref<!tpu.dma_semaphore, #tpu.memory_space<semaphore_mem>>
      %dma_start3A_191 = arith.constant 0 : i32
      %dma_start3A_192 = arith.constant 0 : i32
      %dma_start3A_193 = tpu.memref_slice %arg9[%dma_start3A_191, %dma_start3A_192] : memref<384x128xf32, #tpu.memory_space<vmem>> -> memref<128x128xf32, #tpu.memory_space<vmem>>
      %dma_start3A_194 = arith.constant 0 : i32
      %dma_start3A_195 = tpu.memref_slice %arg4[%add3A_22, %dma_start3A_194] : memref<1478656x128xf32, #tpu.memory_space<hbm>> -> memref<128x128xf32, #tpu.memory_space<hbm>>
      %dma_start3A_196 = arith.constant 0 : i32
      %dma_start3A_197 = tpu.memref_slice %arg4[%add3A_22, %dma_start3A_196] : memref<1478656x128xf32, #tpu.memory_space<hbm>> -> memref<128x128xf32, #tpu.memory_space<hbm>>
      %dma_start3A_198 = arith.constant 0 : i32
      %dma_start3A_199 = arith.constant 0 : i32
      %dma_start3A_200 = tpu.memref_slice %arg9[%dma_start3A_198, %dma_start3A_199] : memref<384x128xf32, #tpu.memory_space<vmem>> -> memref<128x128xf32, #tpu.memory_space<vmem>>
      tpu.enqueue_dma source(%dma_start3A_200 : memref<128x128xf32, #tpu.memory_space<vmem>>) target(%dma_start3A_197 : memref<128x128xf32, #tpu.memory_space<hbm>>) target_semaphore(%run_scoped3A : memref<!tpu.dma_semaphore, #tpu.memory_space<semaphore_mem>>)
      %dma_wait3A_201 = arith.constant 0 : i32
      %dma_wait3A_202 = arith.constant 0 : i32
      %dma_wait3A_203 = tpu.memref_slice %arg9[%dma_wait3A_201, %dma_wait3A_202] : memref<384x128xf32, #tpu.memory_space<vmem>> -> memref<128x128xf32, #tpu.memory_space<vmem>>
      %dma_wait3A_204 = arith.constant 0 : i32
      %dma_wait3A_205 = tpu.memref_slice %arg4[%add3A_22, %dma_wait3A_204] : memref<1478656x128xf32, #tpu.memory_space<hbm>> -> memref<128x128xf32, #tpu.memory_space<hbm>>
      %dma_wait3A_206 = arith.constant 0 : i32
      %dma_wait3A_207 = tpu.memref_slice %arg4[%add3A_22, %dma_wait3A_206] : memref<1478656x128xf32, #tpu.memory_space<hbm>> -> memref<128x128xf32, #tpu.memory_space<hbm>>
      %dma_wait3A_208 = arith.constant 0 : i32
      %dma_wait3A_209 = arith.constant 0 : i32
      %dma_wait3A_210 = tpu.memref_slice %arg9[%dma_wait3A_208, %dma_wait3A_209] : memref<384x128xf32, #tpu.memory_space<vmem>> -> memref<128x128xf32, #tpu.memory_space<vmem>>
      tpu.wait_dma2 semaphore(%run_scoped3A : memref<!tpu.dma_semaphore, #tpu.memory_space<semaphore_mem>>) src(%dma_wait3A_210 : memref<128x128xf32, #tpu.memory_space<vmem>>) dst(%dma_wait3A_207 : memref<128x128xf32, #tpu.memory_space<hbm>>)
      tpu.yield
    }) : () -> ()
    return
  }
}

</mosaic_0001>

<sc_bundles>
// kernel: _lookup.3.cloned.1.call-start
scs
__scs_entry_jumppad:
0x0: {  	(pc) =	sbr.rel $0x88, $3  }
0x1: {  	(tag) =	ssettag $0x0;
	lr =	simm.s32 $0x1  }
0x2: {  	[smem:$0x3F9F] =	sst lr;
	_ =	strace $0xD0000000  }
0x3: {  	_ = 	snop  }
0x4: {  	_ = 	snop  }
0x5: {  	_ = 	snop  }
0x6: {  	_ = 	snop  }
0x7: {  	_ = 	snop  }
__scs_overlays_trampoline_lowered:
0x8: {  	[smem:$0x3FAE] =	sst s0  }
0x9: {  	[smem:$0x3FAF] =	sst s1  }
0xa: {  	[smem:$0x3FB0] =	sst s2  }
0xb: {  	[smem:$0x3FB1] =	sst s3  }
0xc: {  	[smem:$0x3FB2] =	sst s4  }
0xd: {  	[smem:$0x3FB3] =	sst s5  }
0xe: {  	[smem:$0x3FB4] =	sst s6  }
0xf: {  	[smem:$0x3FB5] =	sst s7  }
0x10: {  	[smem:$0x3FB6] =	sst s8  }
0x11: {  	[smem:$0x3FB7] =	sst s9;
	s0 =	simm.s32 @!p0 $0x0  }
0x12: {  	s1 =	sld [smem:$0x3F9D];
	s0 =	simm.s32 @p0 $0x1  }
0x13: {  	[smem:$0x3FB8] =	sst s0;
	s0 =	simm.s32 @!p1 $0x0  }
0x14: {  	s2 =	sld [smem:$0x3F9C];
	s0 =	simm.s32 @p1 $0x1  }
0x15: {  	[smem:$0x3FB9] =	sst s0;
	s0 =	simm.s32 @!p2 $0x0  }
0x16: {  	s3 =	sld [smem:$0x3FDB];
	s0 =	simm.s32 @p2 $0x1  }
0x17: {  	s4 =	simm.s32 $0x1BF5;
	[smem:$0x3FBB] =	sst s0  }
0x18: {  	s0 =	sld [smem:$0x3F9E];
	_ =	swait.ge [sflag:s4], $0x0  }
0x19: {  	s7 =	sld [smem:$0x3F9F]  }
0x1a: {  	s8 =	sadd.s32 $0xFFFFE003, lr  }
0x1b: {  	s9 =	sadd.s32 $0xFFFFFEF7, lr;
	s5 =	simm.s32 $0xFFFFFFFF;
	p2 =	slt.u32 s8, $0xFFFFF086  }
0x1c: {  	p1 =	slt.u32 s9, $0xF7A;
	s5 =	simm.s32 @!p2 $0x0  }
0x1d: {  	s5 =	simm.s32 @p1 $0x1;
	p0 =	seq.s32 s7, s2  }
0x1e: {  	s7 =	smul.u32 @!p0 $0xF7A, s2;
	p2 =	seq.s32 @!p0 s5, $0x0  }
0x1f: {  	s9 =	smul.u32 $0xF7A, s1;
	s8 =	simm.s32 @!p0 $0x1BF5;
	p2 =	por !p2, p0  }
0x20: {  	[sflag:s8] =	ssyncset.s32 @!p0 $0xFFFFF086;
	s6 =	sadd.s32 @!p0 s3, s7;
	s7 =	simm.s32 @!p0 $0x108  }
0x21: {  	s3 =	sadd.s32 s3, s9;
	s6 =	sadd.s32 @!p0 $0x88, s6;
	s7 =	simm.s32 @p2 $0x1082  }
0x22: {  	[simem:s7], [sflag:s8] =	dma.local @!p0 [hbm:s6], $0xF7A  }
0x23: {  	s9 =	sor.u32 $0xD0000000, s2;
	s6 =	simm.s32 $0x108;
	_ =	swait.ge @!p0 [sflag:s8], $0x0  }
0x24: {  	s3 =	sadd.s32 $0x88, s3;
	s6 =	simm.s32 @!p1 $0x1082;
	[sflag:s4] =	ssyncset.s32 $0xFFFFF086  }
0x25: {  	[simem:s6], [sflag:s4] =	dma.local [hbm:s3], $0xF7A  }
0x26: {  	[smem:$0x3F9F] =	sst s1;
	(tag) =	ssettag s2;
	_ =	strace s9  }
0x27: {  	s1 =	sld [smem:$0x3FAF]  }
0x28: {  	s2 =	sld [smem:$0x3FB0]  }
0x29: {  	s4 =	sld [smem:$0x3FB2]  }
0x2a: {  	p0 =	seq.s32 s5, $0x0;
	s5 =	sld [smem:$0x3FB3]  }
0x2b: {  	s6 =	sld [smem:$0x3FB4]  }
0x2c: {  	s7 =	sld [smem:$0x3FB5]  }
0x2d: {  	s3 =	simm.s32 $0x108;
	s8 =	sld [smem:$0x3FB6]  }
0x2e: {  	s3 =	simm.s32 @!p0 $0x1082;
	s9 =	sld [smem:$0x3FB7]  }
0x2f: {  	lr =	sadd.s32 s0, s3;
	s0 =	sld [smem:$0x3FAE]  }
0x30: {  	s3 =	sld [smem:$0x3FB1]  }
0x31: {  	[smem:$0x3FBA] =	sst s10  }
0x32: {  	s10 =	sld [smem:$0x3FB8];
	_ =	sdelay $0x3  }
0x33: {  	p0 =	seq.s32 s10, $0x1;
	s10 =	sld [smem:$0x3FBA];
	_ =	sdelay $0x3  }
0x34: {  	[smem:$0x3FBA] =	sst s10  }
0x35: {  	s10 =	sld [smem:$0x3FB9];
	_ =	sdelay $0x3  }
0x36: {  	p1 =	seq.s32 s10, $0x1;
	s10 =	sld [smem:$0x3FBA];
	_ =	sdelay $0x3  }
0x37: {  	[smem:$0x3FBA] =	sst s10  }
0x38: {  	s10 =	sld [smem:$0x3FBB]  }
0x39: {  	_ = 	snop;
	(pc) =	sbr.ind lr, $3  }
0x3a: {  	_ = 	snop  }
0x3b: {  	_ = 	snop  }
0x3c: {  	p2 =	seq.s32 s10, $0x1;
	s10 =	sld [smem:$0x3FBA]  }
0x3d: {  	_ =	shalt  }
0x3e: {  	_ =	shalt  }
0x3f: {  	_ =	shalt  }
0x40: {  	_ =	shalt  }
0x41: {  	_ =	shalt  }
0x42: {  	_ =	shalt  }
0x43: {  	_ =	shalt  }
0x44: {  	_ =	shalt  }
0x45: {  	_ =	shalt  }
0x46: {  	_ =	shalt  }
0x47: {  	_ =	shalt  }
0x48: {  	_ =	shalt  }
0x49: {  	_ =	shalt  }
0x4a: {  	_ =	shalt  }
0x4b: {  	_ =	shalt  }
0x4c: {  	_ =	shalt  }
0x4d: {  	_ =	shalt  }
0x4e: {  	_ =	shalt  }
0x4f: {  	_ =	shalt  }
0x50: {  	_ =	shalt  }
0x51: {  	_ =	shalt  }
0x52: {  	_ =	shalt  }
0x53: {  	_ =	shalt  }
0x54: {  	_ =	shalt  }
0x55: {  	_ =	shalt  }
0x56: {  	_ =	shalt  }
0x57: {  	_ =	shalt  }
0x58: {  	_ =	shalt  }
0x59: {  	_ =	shalt  }
0x5a: {  	_ =	shalt  }
0x5b: {  	_ =	shalt  }
0x5c: {  	_ =	shalt  }
0x5d: {  	_ =	shalt  }
0x5e: {  	_ =	shalt  }
0x5f: {  	_ =	shalt  }
0x60: {  	_ =	shalt  }
0x61: {  	_ =	shalt  }
0x62: {  	_ =	shalt  }
0x63: {  	_ =	shalt  }
0x64: {  	_ =	shalt  }
0x65: {  	_ =	shalt  }
0x66: {  	_ =	shalt  }
0x67: {  	_ =	shalt  }
0x68: {  	_ =	shalt  }
0x69: {  	_ =	shalt  }
0x6a: {  	_ =	shalt  }
0x6b: {  	_ =	shalt  }
0x6c: {  	_ =	shalt  }
0x6d: {  	_ =	shalt  }
0x6e: {  	_ =	shalt  }
0x6f: {  	_ =	shalt  }
0x70: {  	_ =	shalt  }
0x71: {  	_ =	shalt  }
0x72: {  	_ =	shalt  }
0x73: {  	_ =	shalt  }
0x74: {  	_ =	shalt  }
0x75: {  	_ =	shalt  }
0x76: {  	_ =	shalt  }
0x77: {  	_ =	shalt  }
0x78: {  	_ =	shalt  }
0x79: {  	_ =	shalt  }
0x7a: {  	_ =	shalt  }
0x7b: {  	_ =	shalt  }
0x7c: {  	_ =	shalt  }
0x7d: {  	_ =	shalt  }
0x7e: {  	_ =	shalt  }
0x7f: {  	_ =	shalt  }
0x80: {  	_ =	shalt  }
0x81: {  	_ =	shalt  }
0x82: {  	_ =	shalt  }
0x83: {  	_ =	shalt  }
0x84: {  	_ =	shalt  }
0x85: {  	_ =	shalt  }
0x86: {  	_ =	shalt  }
0x87: {  	_ =	shalt  }
.Lfunc_end0:
.L_simem_size_0:
called_computation_lowered:
.L_overlay_start_0:
0x88: {  	s2 =	sld [smem:$0x3FD9]  }
0x89: {  	s3 =	sld [smem:$0x3FFE];
	_ =	sdelay $0x1  }
0x8a: {  	s1 =	srdreg.scid  }
0x8b: {  	s0 =	sand.u32 $0x1, s1  }
0x8c: {  	s18 =	sshll.u32 s0, $0xA;
	s2 =	sadd.s32 s3, s2  }
0x8d: {  	s2 =	sadd.s32 s2, s18  }
0x8e: {  	[smem:$0x3FC6] =	sst s2  }
0x8f: {  	_ = 	snop  }
0x90: {  	s2 =	sld [smem:$0x3FC9]  }
0x91: {  	s19 =	sld [smem:$0x3FC8]  }
0x92: {  	s4 =	sld [smem:$0x3FD0];
	(tm) =	ssettm $0x1  }
0x93: {  	s5 =	sld [smem:$0x3FFB];
	_ =	sdelay $0x3  }
0x94: {  	_ =	strace s5  }
0x95: {  	s5 =	sld [smem:$0x3FFC];
	_ =	sdelay $0x3  }
0x96: {  	_ =	strace s5  }
0x97: {  	s5 =	sld [smem:$0x3FFD];
	_ =	sdelay $0x3  }
0x98: {  	_ =	strace s5  }
0x99: {  	_ =	strace $0x8FFFFFFF  }
0x9a: {  	s20 =	sld [smem:$0x3FDB];
	_ =	sdelay $0x1  }
0x9b: {  	s6 =	simm.s32 $_scs_section_size  }
0x9c: {  	s7 =	simm.s32 $_size__tile_overlayer_lowered;
	s8 =	simm.s32 $_tile_overlayer_lowered  }
0x9d: {  	s23 =	simm.s32 $0x1BFF;
	s22 =	sshll.u32 s8, $0x1;
	s5 =	sadd.s32 s6, s20  }
0x9e: {  	s9 =	simm.s32 $0x0;
	s21 =	sshll.u32 s7, $0x1;
	s7 =	sadd.s32 s22, s5  }
0x9f: {  	[timem:s9], [sflag:s23] =	dma.local [hbm:s7], s21  }
0xa0: {  	_ =	swait.ge [sflag:s23], s21  }
0xa1: {  	s6 =	ssub.s32 $0x0, s21;
	[sflag:s23] =	ssyncset.done $0x0  }
0xa2: {  	[sflag:s23] =	ssyncadd.s32 s6;
	_ =	sdelay $0x1  }
0xa3: {  	s24 =	simm.s32 $0x1B8B  }
0xa4: {  	_ =	swait.ge [sflag:s24], $0x1  }
0xa5: {  	[sflag:s24] =	ssyncset.done $0x0  }
0xa6: {  	s25 =	simm.s32 $0x1B8E;
	[sflag:s24] =	ssyncadd.s32 $0xFFFFFFFF  }
0xa7: {  	s26 =	simm.s32 $execute0_lowered;
	[smem:$0x3FD2] =	sst s25  }
0xa8: {  	s6 =	sshll.u32 s26, $0x1;
	_ =	strace $0x80000046;
	[dreg:$0x1] =	wrdreg $0xFFFFFFFF  }
0xa9: {  	s28 =	simm.s32 $_size_execute0_lowered;
	s5 =	sadd.s32 s5, s6;
	[dreg:$0x0] =	wrdreg $0x0  }
0xaa: {  	s6 =	sshll.u32 s28, $0x1;
	[dreg:$0x2] =	wrdreg s5  }
0xab: {  	[dreg:$0x3] =	wrdreg s6  }
0xac: {  	[dreg:$0x4] =	wrdreg $0xC0  }
0xad: {  	_ =	task [dreg:s9], $0x5FFFF  }
0xae: {  	[dreg:$0x1] =	wrdreg $0xFFFFFFFF  }
0xaf: {  	[dreg:$0x0] =	wrdreg $0x60  }
0xb0: {  	[dreg:$0x2] =	wrdreg s2  }
0xb1: {  	[dreg:$0x3] =	wrdreg s19  }
0xb2: {  	[dreg:$0x4] =	wrdreg s4  }
0xb3: {  	[dreg:$0x5] =	wrdreg $0x0  }
0xb4: {  	[dreg:$0x6] =	wrdreg $0x9  }
0xb5: {  	_ =	task.clear_ibuf [dreg:s9], $0x7FFFF;
	_ =	strace $0x90000046  }
0xb6: {  	s29 =	simm.s32 $0x9;
	_ =	strace $0x80000048  }
0xb7: {  	_ =	swait.ge [sflag:s29], $0x1  }
0xb8: {  	[sflag:s29] =	ssyncadd.s32 $0xFFFFFFFF  }
0xb9: {  	_ =	strace $0x90000048  }
0xba: {  	_ =	sfence  }
0xbb: {  	s30 =	sld [smem:$0x0];
	_ =	sdelay $0x2  }
0xbc: {  	s31 =	sshll.u32 s1, $0xD;
	s1 =	sshrl.u32 s1, $0x2  }
0xbd: {  	s3 =	sand.u32 $0x4000, s31;
	s1 =	sadd.s32 s1, s30  }
0xbe: {  	s0 =	sor.u32 s3, s0;
	s1 =	sshll.u32 s1, $0x11  }
0xbf: {  	s0 =	sor.u32 s1, s0  }
0xc0: {  	s0 =	sadd.s32 $0x8F2B, s0  }
0xc1: {  	[sflag:s0] =	ssyncadd.remote.s32 $0x1  }
0xc2: {  	_ =	sfence.sel $0xFFFF  }
0xc3: {  	[dreg:$0x0] =	wrdreg $0xFFFFFFFF;
	(pc) =	sbr.abs _section_cstart, $3  }
0xc4: {  	[dreg:$0x1] =	wrdreg $0xFFFFFFFF  }
0xc5: {  	_ =	task.clear_ibuf [dreg:s9], $0x2FFFF;
	_ =	strace $0x9FFFFFFF  }
0xc6: {  	(tm) =	ssettm $0x7FFFFFFF  }
0xc7: {  	_ =	shalt  }
tec
execute0_lowered:
.L_overlay_start_1:
0x0: {  	(tag) =	ssettag $0x1  }
0x1: {  	s9 =	rddreg [dreg:$0x0]  }
0x2: {  	s0 =	rddreg [dreg:$0x1]  }
0x3: {  	s6 =	rddreg [dreg:$0x2];
	s1 =	srdreg.scid  }
0x4: {  	s10 =	stileid.u32;
	s2 =	rddreg [dreg:$0x3];
	s3 =	simm.s32 $0x0  }
0x5: {  	s26 =	simm.s32 $0x23D8;
	s28 =	simm.s32 $0x6758;
	s29 =	simm.s32 $0x2458  }
0x6: {  	s30 =	simm.s32 $0xA758;
	s31 =	simm.s32 $0x2558;
	s15 =	simm.s32 $0x25D8  }
0x7: {  	s16 =	simm.s32 $0x12758;
	s5 =	sand.u32 $0x1, s1;
	s1 =	rddreg [dreg:$0x4]  }
0x8: {  	s17 =	simm.s32 $0x2658;
	s18 =	simm.s32 $0x16758;
	[smem:$0x7FF] =	sst s3  }
0x9: {  	s19 =	simm.s32 $0x3;
	_ =	strace $0x80000047;
	[dreg:$0x5] =	wrdreg s26  }
0xa: {  	s20 =	simm.s32 $0x4;
	s21 =	simm.s32 $0x0;
	[dreg:$0x6] =	wrdreg s28  }
0xb: {  	s4 =	sshll.u32 s10, $0x1;
	s8 =	smul.u32 $0x169000, s10;
	[dreg:$0x7] =	wrdreg s29  }
0xc: {  	s13 =	smul.u32 $0x16900, s10;
	p0 =	sne.s32 s10, $0x0;
	[dreg:$0x8] =	wrdreg s30  }
0xd: {  	s4 =	sor.u32 s5, s4;
	s23 =	smul.u32 $0xB480, s5;
	[dreg:$0x9] =	wrdreg s31  }
0xe: {  	s7 =	ssub.s32 $0x2, s5;
	s14 =	smul.u32 $0xB4800, s5;
	[dreg:$0xa] =	wrdreg s15  }
0xf: {  	s10 =	sshrl.u32 @!p0 s2, $0x3;
	s15 =	simm.s32 $0x2758;
	[dreg:$0xb] =	wrdreg s16  }
0x10: {  	s16 =	simm.s32 $0x1;
	[dreg:$0xc] =	wrdreg s17;
	s17 =	simm.s32 $0xE758  }
0x11: {  	[dreg:$0xd] =	wrdreg s18;
	s18 =	simm.s32 $0x2;
	s11 =	sshrl.u32 s7, $0x1  }
0x12: {  	s4 =	smul.u32 $0xB480, s4;
	s8 =	sadd.s32 s8, s6;
	s7 =	ssub.s32 s7, s11  }
0x13: {  	s11 =	sadd.s32 s23, s13;
	s24 =	sadd.s32 s14, s8;
	s13 =	simm.s32 $0x80  }
0x14: {  	s14 =	simm.s32 $0x2358;
	s12 =	sadd.s32 $0xB400, s4;
	s25 =	sadd.s32 $0x180, s11  }
0x15: {  	s11 =	sshrl.u32 s11, $0x3;
	s4 =	sshrl.u32 s12, $0x3;
	s12 =	sshll.u32 s12, $0x4  }
0x16: {  	s8 =	sshrl.u32 s25, $0x3;
	s4 =	sadd.s32 s9, s4;
	s5 =	sadd.s32 s6, s12  }
0x17: {  	s6 =	smax.u32 s7, $0x1;
	s7 =	sadd.s32 $0x1800, s24;
	s8 =	sadd.s32 s8, s9  }
0x18: {  	v0 =	vlaneseq.u32;
	s9 =	sadd.s32 s11, s9;
	s11 =	simm.s32 $0x21D8;
	s12 =	simm.s32 $0x5  }
.LBB2_1:
0x19: {  	s22 =	simm.s32 @!p0 $0x1C05  }
0x1a: {  	[spmem:s10], [sflag:s22] =	dma.local @!p0 [hbm:s0], $0x43B0  }
0x1b: {  	s22 =	simm.s32 @!p0 $0x5  }
0x1c: {  	_ =	swait.ge @!p0 [sflag:s22], $0x43B0  }
0x1d: {  	[sflag:s22] =	ssyncset.done @!p0 $0x0  }
0x1e: {  	s23 =	smov.u32 s9;
	s24 =	smov.u32 s8;
	[sflag:s22] =	ssyncadd.s32 @!p0 $0xFFFFBC50  }
0x1f: {  	s25 =	smov.u32 s7;
	s22 =	simm.s32 $0x2F0;
	[bflag:$0x0] =	sbarrier.arrive $0xFFFF  }
.LBB2_2:
0x20: {  	s26 =	sadd.s32 $0xFFFFFD10, s22  }
0x21: {  	s30 =	sadd.s32 $0xFFFFFD30, s22;
	v1 =	vor.u32 s26, v0  }
0x22: {  	s31 =	sadd.s32 $0xFFFFFD40, s22;
	v5 =	vor.u32 s30, v0;
	v2 =	vmulhi.u32 $0x6B1490AB, v1  }
0x23: {  	v55 =	vor.u32 s31, v0;
	s30 =	sadd.s32 $0xFFFFFD70, s22;
	v7 =	vmulhi.u32 $0x6B1490AB, v5  }
0x24: {  	s31 =	sadd.s32 $0xFFFFFD80, s22;
	v56 =	vmulhi.u32 $0x6B1490AB, v55;
	v63 =	vor.u32 s30, v0  }
0x25: {  	p1 =	seq.s32 s22, $0x2F0;
	v13 =	vor.u32 s31, v0;
	s30 =	sadd.s32 $0xFFFFFDB0, s22;
	v12 =	vmulhi.u32 $0x6B1490AB, v63  }
0x26: {  	s28 =	simm.s32 @!p1 $0x3;
	s31 =	sadd.s32 $0xFFFFFDC0, s22;
	v18 =	vmulhi.u32 $0x6B1490AB, v13;
	v34 =	vor.u32 s30, v0  }
0x27: {  	_ =	swait.ge @!p1 [sflag:s28], $0xC000;
	v36 =	vor.u32 s31, v0;
	v3 =	vsub.s32 v1, v2;
	v35 =	vmulhi.u32 $0x6B1490AB, v34  }
0x28: {  	[sflag:s28] =	ssyncset.done @!p1 $0x0;
	s30 =	sadd.s32 $0xFFFFFDF0, s22;
	s31 =	sadd.s32 $0xFFFFFE00, s22;
	v8 =	vsub.s32 v5, v7;
	v10 =	vsub.s32 v55, v56;
	v37 =	vmulhi.u32 $0x6B1490AB, v36  }
0x29: {  	[sflag:s28] =	ssyncadd.s32 @!p1 $0xFFFF4000;
	s28 =	sadd.s32 $0xFFFFFD50, s22;
	v49 =	vor.u32 s30, v0;
	v52 =	vor.u32 s31, v0;
	v3 =	vshrl.u32 v3, $0x1  }
0x2a: {  	v54 =	vshrl.u32 v8, $0x1;
	v11 =	vor.u32 s28, v0;
	v19 =	vsub.s32 v63, v12  }
0x2b: {  	s29 =	sadd.s32 $0xFFFFFD20, s22;
	v14 =	vsub.s32 v13, v18;
	v50 =	vmulhi.u32 $0x6B1490AB, v49;
	v2 =	vadd.s32 v2, v3  }
0x2c: {  	s28 =	sadd.s32 $0xFFFFFD90, s22;
	v3 =	vor.u32 s29, v0;
	v58 =	vmulhi.u32 $0x6B1490AB, v11;
	v8 =	vshrl.u32 v19, $0x1  }
0x2d: {  	s29 =	sadd.s32 $0xFFFFFD60, s22;
	v21 =	vshrl.u32 v14, $0x1;
	v25 =	vor.u32 s28, v0;
	v40 =	vsub.s32 v36, v37  }
0x2e: {  	s28 =	sadd.s32 $0xFFFFFDD0, s22;
	v2 =	vshrl.u32 v2, $0x8;
	v4 =	vmulhi.u32 $0x6B1490AB, v3;
	v61 =	vor.u32 s29, v0  }
0x2f: {  	[tilespmem:s11], [sflag:$0x5] =	stream.linear.gather [hbm4b:s23+s3], $0x180, $0x38;
	v8 =	vadd.s32 v12, v8;
	v28 =	vmulhi.u32 $0x6B1490AB, v25;
	v43 =	vor.u32 s28, v0;
	[tilespmem:$0x1A758] =	vst v63  }
0x30: {  	s29 =	sadd.s32 $0xFFFFFDA0, s22;
	v53 =	vsub.s32 v49, v50;
	v2 =	vmul.u32 $0x169, v2;
	v59 =	vsub.s32 v11, v58  }
0x31: {  	s28 =	sadd.s32 $0xFFFFFE10, s22;
	v62 =	vmulhi.u32 $0x6B1490AB, v61;
	v8 =	vshrl.u32 v8, $0x8;
	v32 =	vor.u32 s29, v0  }
0x32: {  	_ =	swait.ge [sflag:s12], $0x180;
	v44 =	vmulhi.u32 $0x6B1490AB, v43;
	s29 =	sadd.s32 $0xFFFFFDE0, s22;
	v14 =	vor.u32 s28, v0;
	v22 =	vmul.u32 $0x169, v8  }
0x33: {  	[sflag:s12] =	ssyncset.done $0x0;
	v31 =	vsub.s32 v25, v28;
	v33 =	vmulhi.u32 $0x6B1490AB, v32;
	v47 =	vor.u32 s29, v0  }
0x34: {  	[sflag:s12] =	ssyncadd.s32 $0xFFFFFE80;
	v1 =	vsub.s32 v1, v2;
	v2 =	vsub.s32 v3, v4;
	v16 =	vsub.s32 v61, v62  }
0x35: {  	v6 =	vld [tilespmem:$0x21D8];
	v46 =	vsub.s32 v43, v44;
	v48 =	vmulhi.u32 $0x6B1490AB, v47;
	v1 =	vmul.u32 $0x3, v1  }
0x36: {  	v2 =	vshrl.u32 v2, $0x1;
	v17 =	vshrl.u32 v16, $0x1;
	v26 =	vsub.s32 v63, v22  }
0x37: {  	v16 =	vmulhi.u32 $0x6B1490AB, v14;
	v2 =	vadd.s32 v4, v2;
	v4 =	vadd.s32 v7, v54  }
0x38: {  	v29 =	vmul.u32 $0x3, v26;
	v51 =	vsub.s32 v47, v48;
	v2 =	vshrl.u32 v2, $0x8  }
0x39: {  	v54 =	vmulhi.u32 $0x6B1490AB, v52;
	v4 =	vshrl.u32 v4, $0x8;
	v2 =	vmul.u32 $0x169, v2  }
0x3a: {  	v1 =	vadd.s32 v1, v6;
	v4 =	vmul.u32 $0x169, v4;
	v6 =	vadd.s32 v62, v17  }
0x3b: {  	v57 =	vld [tilespmem:$0x21E8];
	v6 =	vshrl.u32 v6, $0x8;
	v2 =	vsub.s32 v3, v2;
	v3 =	vshrl.u32 v10, $0x1  }
0x3c: {  	v9 =	vld [tilespmem:$0x21F8];
	s29 =	sadd.s32 $0xFFFFFE20, s22;
	v4 =	vsub.s32 v5, v4;
	v5 =	vshrl.u32 v59, $0x1;
	v6 =	vmul.u32 $0x169, v6  }
0x3d: {  	v10 =	vadd.s32 v18, v21;
	v18 =	vor.u32 s29, v0;
	v2 =	vmul.u32 $0x3, v2  }
0x3e: {  	v3 =	vadd.s32 v56, v3;
	v4 =	vmul.u32 $0x3, v4;
	v5 =	vadd.s32 v58, v5  }
0x3f: {  	v23 =	vshrl.u32 v10, $0x8;
	v19 =	vmulhi.u32 $0x6B1490AB, v18;
	v3 =	vshrl.u32 v3, $0x8  }
0x40: {  	v15 =	vld [tilespmem:$0x2228];
	v5 =	vshrl.u32 v5, $0x8;
	v6 =	vsub.s32 v61, v6;
	v8 =	vmul.u32 $0x169, v23  }
0x41: {  	v2 =	vadd.s32 v2, v57;
	v3 =	vmul.u32 $0x169, v3;
	v4 =	vadd.s32 v4, v9  }
0x42: {  	v60 =	vld [tilespmem:$0x2208];
	[tilespmem:$0x2358] =	vst v1;
	v5 =	vmul.u32 $0x169, v5;
	v1 =	vmul.u32 $0x3, v6;
	v9 =	vshrl.u32 v40, $0x1  }
0x43: {  	v24 =	vld [tilespmem:$0x2238];
	v57 =	vsub.s32 v52, v54;
	v22 =	vsub.s32 v18, v19;
	v30 =	vsub.s32 v13, v8  }
0x44: {  	v20 =	vld [tilespmem:$0x2218];
	v8 =	vshrl.u32 v51, $0x1;
	v10 =	vshrl.u32 v57, $0x1;
	v3 =	vsub.s32 v55, v3  }
0x45: {  	v5 =	vsub.s32 v11, v5;
	v1 =	vadd.s32 v1, v15;
	v8 =	vadd.s32 v48, v8  }
0x46: {  	v55 =	vshrl.u32 v53, $0x1;
	v10 =	vadd.s32 v54, v10;
	v3 =	vmul.u32 $0x3, v3  }
0x47: {  	v5 =	vmul.u32 $0x3, v5;
	v8 =	vshrl.u32 v8, $0x8;
	v7 =	vadd.s32 v50, v55  }
0x48: {  	[tilespmem:$0x23A8] =	vst v1;
	v1 =	vadd.s32 v29, v24;
	v8 =	vmul.u32 $0x169, v8;
	v7 =	vshrl.u32 v7, $0x8  }
0x49: {  	s30 =	sadd.s32 $0xFFFFFE30, s22;
	v27 =	vld [tilespmem:$0x2248];
	[tilespmem:$0x2368] =	vst v2;
	v3 =	vadd.s32 v3, v60;
	v2 =	vadd.s32 v5, v20;
	v5 =	vadd.s32 v37, v9  }
0x4a: {  	v7 =	vmul.u32 $0x169, v7;
	v60 =	vshrl.u32 v10, $0x8;
	v20 =	vor.u32 s30, v0;
	[tilespmem:$0x2388] =	vst v3  }
0x4b: {  	v3 =	vmul.u32 $0x3, v30;
	[tilespmem:$0x2398] =	vst v2;
	v2 =	vshrl.u32 v31, $0x1;
	v5 =	vshrl.u32 v5, $0x8  }
0x4c: {  	v6 =	vsub.s32 v47, v8;
	v62 =	vmul.u32 $0x169, v60;
	v21 =	vmulhi.u32 $0x6B1490AB, v20  }
0x4d: {  	[tilespmem:$0x2378] =	vst v4;
	v2 =	vadd.s32 v28, v2;
	v5 =	vmul.u32 $0x169, v5;
	v61 =	vsub.s32 v49, v7  }
0x4e: {  	[tilespmem:$0x23B8] =	vst v1;
	v1 =	vadd.s32 v3, v27;
	v2 =	vshrl.u32 v2, $0x8;
	v3 =	vsub.s32 v32, v33  }
0x4f: {  	v63 =	vmul.u32 $0x3, v61;
	v23 =	vsub.s32 v20, v21;
	[tilespmem:$0x23C8] =	vst v1;
	v1 =	vshrl.u32 v3, $0x1  }
0x50: {  	v3 =	vsub.s32 v34, v35;
	v2 =	vmul.u32 $0x169, v2;
	v45 =	vsub.s32 v36, v5;
	[tilespmem:s15], [sflag:$0x1] =	stream.indirect.gather [spmem:s2], $0x80, s14, s13, $0xb8;
	[tilespmem:$0x1A758] =	vst v63  }
0x51: {  	v5 =	vshrl.u32 v46, $0x1;
	v1 =	vadd.s32 v33, v1;
	v3 =	vshrl.u32 v3, $0x1;
	v38 =	vld [tilespmem:$0x2258]  }
0x52: {  	v4 =	vmul.u32 $0x3, v45;
	v5 =	vadd.s32 v44, v5;
	v1 =	vshrl.u32 v1, $0x8;
	v39 =	vld [tilespmem:$0x2268]  }
0x53: {  	v3 =	vadd.s32 v35, v3;
	v42 =	vld [tilespmem:$0x2288];
	v5 =	vshrl.u32 v5, $0x8;
	v1 =	vmul.u32 $0x169, v1  }
0x54: {  	v2 =	vsub.s32 v25, v2;
	v59 =	vld [tilespmem:$0x22B8];
	v3 =	vshrl.u32 v3, $0x8;
	v5 =	vmul.u32 $0x169, v5  }
0x55: {  	s28 =	sadd.s32 $0xFFFFFE60, s22;
	v41 =	vld [tilespmem:$0x2278];
	v2 =	vmul.u32 $0x3, v2;
	v3 =	vmul.u32 $0x169, v3;
	v1 =	vsub.s32 v32, v1  }
0x56: {  	v33 =	vor.u32 s28, v0;
	v56 =	vld [tilespmem:$0x2298];
	v5 =	vsub.s32 v43, v5;
	v1 =	vmul.u32 $0x3, v1  }
0x57: {  	v58 =	vld [tilespmem:$0x22A8];
	v3 =	vsub.s32 v34, v3;
	v5 =	vmul.u32 $0x3, v5;
	v2 =	vadd.s32 v2, v38  }
0x58: {  	v34 =	vmulhi.u32 $0x6B1490AB, v33;
	v3 =	vmul.u32 $0x3, v3;
	v4 =	vadd.s32 v4, v42;
	[tilespmem:$0x23D8] =	vst v2  }
0x59: {  	v17 =	vadd.s32 v63, v59;
	v1 =	vadd.s32 v1, v39;
	v2 =	vmul.u32 $0x3, v6;
	[tilespmem:$0x2408] =	vst v4  }
0x5a: {  	v4 =	vshrl.u32 v23, $0x1;
	v38 =	vsub.s32 v33, v34;
	v3 =	vadd.s32 v3, v41;
	[tilespmem:$0x23E8] =	vst v1  }
0x5b: {  	v13 =	vld [tilespmem:$0x22C8];
	v1 =	vadd.s32 v5, v56;
	v4 =	vadd.s32 v21, v4;
	v12 =	vshrl.u32 v38, $0x1;
	[tilespmem:$0x23F8] =	vst v3  }
0x5c: {  	v2 =	vadd.s32 v2, v58;
	v3 =	vsub.s32 v52, v62;
	[tilespmem:$0x2418] =	vst v1;
	v1 =	vsub.s32 v14, v16  }
0x5d: {  	s29 =	sadd.s32 $0xFFFFFE40, s22;
	v4 =	vshrl.u32 v4, $0x8;
	v9 =	vadd.s32 v34, v12;
	v3 =	vmul.u32 $0x3, v3  }
0x5e: {  	[tilespmem:$0x2428] =	vst v2;
	v2 =	vor.u32 s29, v0;
	v1 =	vshrl.u32 v1, $0x1;
	v4 =	vmul.u32 $0x169, v4  }
0x5f: {  	s29 =	sadd.s32 $0xFFFFFE70, s22;
	v9 =	vshrl.u32 v9, $0x8;
	v1 =	vadd.s32 v16, v1;
	v24 =	vmulhi.u32 $0x6B1490AB, v2  }
0x60: {  	v35 =	vor.u32 s29, v0;
	v9 =	vmul.u32 $0x169, v9;
	v3 =	vadd.s32 v3, v13  }
0x61: {  	s31 =	rddreg [dreg:$0x5];
	[tilespmem:$0x2438] =	vst v17;
	v1 =	vshrl.u32 v1, $0x8;
	v4 =	vsub.s32 v20, v4;
	v36 =	vmulhi.u32 $0x6B1490AB, v35  }
0x62: {  	s30 =	rddreg [dreg:$0x6];
	[tilespmem:$0x2448] =	vst v3;
	v3 =	vshrl.u32 v22, $0x1;
	v1 =	vmul.u32 $0x169, v1;
	v27 =	vsub.s32 v2, v24  }
0x63: {  	v4 =	vmul.u32 $0x3, v4;
	[tilespmem:s30], [sflag:$0x1] =	stream.indirect.gather [spmem:s2], $0x80, s31, s13, $0xb8;
	v3 =	vadd.s32 v19, v3;
	v11 =	vshrl.u32 v27, $0x1;
	[tilespmem:$0x1A758] =	vst v63  }
0x64: {  	s31 =	sadd.s32 $0xFFFFFE50, s22;
	s30 =	sadd.s32 $0xFFFFFE80, s22;
	v40 =	vsub.s32 v35, v36;
	v3 =	vshrl.u32 v3, $0x8;
	v1 =	vsub.s32 v14, v1  }
0x65: {  	v29 =	vadd.s32 v24, v11;
	v30 =	vor.u32 s31, v0;
	v37 =	vor.u32 s30, v0  }
0x66: {  	v42 =	vshrl.u32 v40, $0x1;
	v5 =	vshrl.u32 v29, $0x8;
	v31 =	vmulhi.u32 $0x6B1490AB, v30  }
0x67: {  	v25 =	vld [tilespmem:$0x22D8];
	v3 =	vmul.u32 $0x169, v3;
	v1 =	vmul.u32 $0x3, v1;
	v5 =	vmul.u32 $0x169, v5  }
0x68: {  	v28 =	vld [tilespmem:$0x22F8];
	v39 =	vmulhi.u32 $0x6B1490AB, v37;
	v7 =	vadd.s32 v36, v42;
	v32 =	vsub.s32 v30, v31  }
0x69: {  	v26 =	vld [tilespmem:$0x22E8];
	v7 =	vshrl.u32 v7, $0x8;
	v2 =	vsub.s32 v2, v5;
	v5 =	vshrl.u32 v32, $0x1  }
0x6a: {  	v3 =	vsub.s32 v18, v3;
	v43 =	vsub.s32 v37, v39;
	v5 =	vadd.s32 v31, v5  }
0x6b: {  	v41 =	vld [tilespmem:$0x2308];
	v46 =	vmul.u32 $0x169, v7;
	v3 =	vmul.u32 $0x3, v3;
	v5 =	vshrl.u32 v5, $0x8  }
0x6c: {  	v44 =	vld [tilespmem:$0x2318];
	v14 =	vshrl.u32 v43, $0x1;
	v1 =	vadd.s32 v1, v25;
	v5 =	vmul.u32 $0x169, v5  }
0x6d: {  	v45 =	vld [tilespmem:$0x2328];
	v4 =	vadd.s32 v4, v28;
	v2 =	vmul.u32 $0x3, v2;
	v13 =	vadd.s32 v39, v14  }
0x6e: {  	v47 =	vld [tilespmem:$0x2338];
	v3 =	vadd.s32 v3, v26;
	[tilespmem:$0x2458] =	vst v1;
	v48 =	vshrl.u32 v13, $0x8;
	v1 =	vsub.s32 v30, v5  }
0x6f: {  	v49 =	vld [tilespmem:$0x2348];
	[tilespmem:$0x2468] =	vst v3;
	v3 =	vsub.s32 v33, v9;
	v7 =	vmul.u32 $0x169, v48;
	v1 =	vmul.u32 $0x3, v1  }
0x70: {  	v50 =	vsub.s32 v35, v46;
	[tilespmem:$0x2478] =	vst v4;
	v2 =	vadd.s32 v2, v41;
	v3 =	vmul.u32 $0x3, v3  }
0x71: {  	[tilespmem:$0x2488] =	vst v2;
	v2 =	vmul.u32 $0x3, v50;
	v51 =	vsub.s32 v37, v7;
	v1 =	vadd.s32 v1, v44  }
0x72: {  	[tilespmem:$0x2498] =	vst v1;
	v1 =	vadd.s32 v3, v45;
	v3 =	vmul.u32 $0x3, v51  }
0x73: {  	[tilespmem:$0x24A8] =	vst v1;
	v1 =	vadd.s32 v2, v47  }
0x74: {  	s29 =	rddreg [dreg:$0x8];
	[tilespmem:$0x24B8] =	vst v1;
	v1 =	vadd.s32 v3, v49  }
0x75: {  	s31 =	rddreg [dreg:$0x7];
	[tilespmem:$0x24C8] =	vst v1  }
0x76: {  	[tilespmem:s29], [sflag:$0x1] =	stream.indirect.gather [spmem:s2], $0x80, s31, s13, $0xb8;
	[tilespmem:$0x1A758] =	vst v63  }
0x77: {  	s31 =	sadd.s32 $0xFFFFFE90, s22  }
0x78: {  	s29 =	sadd.s32 $0xFFFFFEB0, s22;
	v1 =	vor.u32 s31, v0  }
0x79: {  	v53 =	vor.u32 s29, v0;
	s31 =	sadd.s32 $0xFFFFFED0, s22;
	v2 =	vmulhi.u32 $0x6B1490AB, v1  }
0x7a: {  	s29 =	sadd.s32 $0xFFFFFEF0, s22;
	v55 =	vmulhi.u32 $0x6B1490AB, v53;
	v63 =	vor.u32 s31, v0  }
0x7b: {  	v20 =	vor.u32 s29, v0;
	s31 =	sadd.s32 $0xFFFFFF10, s22;
	v15 =	vmulhi.u32 $0x6B1490AB, v63  }
0x7c: {  	s29 =	sadd.s32 $0xFFFFFF30, s22;
	v22 =	vmulhi.u32 $0x6B1490AB, v20;
	v34 =	vor.u32 s31, v0  }
0x7d: {  	_ =	swait.ge [sflag:s16], $0x4000;
	v43 =	vor.u32 s29, v0;
	v37 =	vmulhi.u32 $0x6B1490AB, v34  }
0x7e: {  	[sflag:s16] =	ssyncset.done $0x0;
	s31 =	sadd.s32 $0xFFFFFF40, s22;
	v3 =	vsub.s32 v1, v2;
	v56 =	vsub.s32 v53, v55;
	v44 =	vmulhi.u32 $0x6B1490AB, v43  }
0x7f: {  	[sflag:s16] =	ssyncadd.s32 $0xFFFFC000;
	v45 =	vor.u32 s31, v0;
	v3 =	vshrl.u32 v3, $0x1;
	v57 =	vshrl.u32 v56, $0x1  }
0x80: {  	s29 =	sadd.s32 $0xFFFFFF60, s22;
	_ =	swait.ge [sflag:s16], $0x4000;
	v16 =	vsub.s32 v63, v15;
	v26 =	vsub.s32 v20, v22;
	v46 =	vmulhi.u32 $0x6B1490AB, v45  }
0x81: {  	[sflag:s16] =	ssyncset.done $0x0;
	v56 =	vor.u32 s29, v0;
	v2 =	vadd.s32 v2, v3;
	v4 =	vadd.s32 v55, v57  }
0x82: {  	[sflag:s16] =	ssyncadd.s32 $0xFFFFC000;
	v5 =	vshrl.u32 v16, $0x1;
	v8 =	vshrl.u32 v26, $0x1;
	v40 =	vsub.s32 v34, v37  }
0x83: {  	v57 =	vmulhi.u32 $0x6B1490AB, v56;
	_ =	swait.ge [sflag:s16], $0x4000;
	v2 =	vshrl.u32 v2, $0x8;
	v4 =	vshrl.u32 v4, $0x8  }
0x84: {  	v5 =	vadd.s32 v15, v5;
	v8 =	vadd.s32 v22, v8;
	v49 =	vsub.s32 v45, v46;
	[sflag:s16] =	ssyncset.done $0x0  }
0x85: {  	s30 =	sadd.s32 $0xFFFFE800, s25;
	v2 =	vmul.u32 $0x169, v2;
	v4 =	vmul.u32 $0x169, v4;
	v5 =	vshrl.u32 v5, $0x8;
	[sflag:s16] =	ssyncadd.s32 $0xFFFFC000  }
0x86: {  	v8 =	vshrl.u32 v8, $0x8;
	v9 =	vshrl.u32 v49, $0x1;
	v5 =	vmul.u32 $0x169, v5;
	[hbm4b:s30+s3] =	stream.linear.scatter [tilespmem:s15], [sflag:$0x3], $0xC000, $0x38;
	[tilespmem:$0x1A758] =	vst v63  }
0x87: {  	s28 =	simm.s32 @!p1 $0x4;
	v31 =	vmul.u32 $0x169, v8;
	v1 =	vsub.s32 v1, v2;
	s30 =	sadd.s32 $0xFFFFFEC0, s22;
	v4 =	vsub.s32 v53, v4  }
0x88: {  	_ =	swait.ge @!p1 [sflag:s28], $0xC000;
	v1 =	vmul.u32 $0x3, v1;
	v58 =	vor.u32 s30, v0;
	v4 =	vmul.u32 $0x3, v4;
	s30 =	sadd.s32 $0xFFFFFF00, s22  }
0x89: {  	s29 =	sadd.s32 $0xFFFFFFA0, s22;
	v5 =	vsub.s32 v63, v5;
	[sflag:s28] =	ssyncset.done @!p1 $0x0;
	v59 =	vmulhi.u32 $0x6B1490AB, v58;
	v23 =	vor.u32 s30, v0  }
0x8a: {  	v35 =	vsub.s32 v20, v31;
	v31 =	vor.u32 s29, v0;
	[sflag:s28] =	ssyncadd.s32 @!p1 $0xFFFF4000;
	s28 =	sadd.s32 $0xFFFFFEA0, s22;
	v25 =	vmulhi.u32 $0x6B1490AB, v23  }
0x8b: {  	v5 =	vmul.u32 $0x3, v5;
	v38 =	vmul.u32 $0x3, v35;
	v3 =	vor.u32 s28, v0;
	s28 =	sadd.s32 $0xFFFFFEE0, s22  }
0x8c: {  	[tilespmem:s11], [sflag:$0x5] =	stream.linear.gather [hbm4b:s24+s3], $0x180, $0x38;
	v52 =	vmulhi.u32 $0x6B1490AB, v3;
	v18 =	vor.u32 s28, v0;
	v28 =	vsub.s32 v23, v25;
	[tilespmem:$0x1A758] =	vst v63  }
0x8d: {  	v62 =	vsub.s32 v58, v59;
	_ =	swait.ge [sflag:s12], $0x180;
	s28 =	sadd.s32 $0xFFFFFF20, s22;
	v19 =	vmulhi.u32 $0x6B1490AB, v18;
	v30 =	vshrl.u32 v28, $0x1  }
0x8e: {  	[sflag:s12] =	ssyncset.done $0x0;
	v41 =	vor.u32 s28, v0;
	v2 =	vsub.s32 v3, v52;
	v10 =	vadd.s32 v25, v30  }
0x8f: {  	[sflag:s12] =	ssyncadd.s32 $0xFFFFFE80;
	v42 =	vmulhi.u32 $0x6B1490AB, v41;
	v2 =	vshrl.u32 v2, $0x1;
	v21 =	vsub.s32 v18, v19  }
0x90: {  	s28 =	sadd.s32 $0xFFFFFF50, s22;
	v54 =	vld [tilespmem:$0x21D8];
	v32 =	vshrl.u32 v10, $0x8;
	v2 =	vadd.s32 v52, v2;
	v24 =	vshrl.u32 v21, $0x1  }
0x91: {  	v61 =	vld [tilespmem:$0x21F8];
	v8 =	vmul.u32 $0x169, v32;
	v52 =	vor.u32 s28, v0;
	v32 =	vmulhi.u32 $0x6B1490AB, v31  }
0x92: {  	s28 =	sadd.s32 $0xFFFFFF90, s22;
	v2 =	vshrl.u32 v2, $0x8;
	v6 =	vadd.s32 v19, v24;
	v53 =	vmulhi.u32 $0x6B1490AB, v52  }
0x93: {  	v60 =	vld [tilespmem:$0x21E8];
	v28 =	vor.u32 s28, v0;
	v2 =	vmul.u32 $0x169, v2;
	v6 =	vshrl.u32 v6, $0x8  }
0x94: {  	v27 =	vld [tilespmem:$0x2218];
	v39 =	vsub.s32 v23, v8;
	v35 =	vsub.s32 v31, v32;
	v6 =	vmul.u32 $0x169, v6  }
0x95: {  	s31 =	sadd.s32 $0xFFFFFF80, s22;
	v29 =	vld [tilespmem:$0x2228];
	v55 =	vsub.s32 v52, v53;
	v1 =	vadd.s32 v1, v54;
	v2 =	vsub.s32 v3, v2  }
0x96: {  	v3 =	vshrl.u32 v62, $0x1;
	v4 =	vadd.s32 v4, v61;
	v61 =	vor.u32 s31, v0  }
0x97: {  	v2 =	vmul.u32 $0x3, v2;
	v3 =	vadd.s32 v59, v3;
	v6 =	vsub.s32 v18, v6  }
0x98: {  	v33 =	vld [tilespmem:$0x2238];
	[tilespmem:$0x2558] =	vst v1;
	v63 =	vmulhi.u32 $0x6B1490AB, v61;
	v3 =	vshrl.u32 v3, $0x8;
	v1 =	vmul.u32 $0x3, v6  }
0x99: {  	v2 =	vadd.s32 v2, v60;
	v3 =	vmul.u32 $0x169, v3;
	v60 =	vsub.s32 v56, v57  }
0x9a: {  	v20 =	vsub.s32 v61, v63;
	[tilespmem:$0x2568] =	vst v2;
	v2 =	vadd.s32 v5, v27;
	v1 =	vadd.s32 v1, v29  }
0x9b: {  	s28 =	sadd.s32 $0xFFFFFFE0, s22;
	v5 =	vadd.s32 v46, v9;
	v8 =	vshrl.u32 v60, $0x1;
	v10 =	vshrl.u32 v20, $0x1  }
0x9c: {  	v17 =	vld [tilespmem:$0x2208];
	v29 =	vmulhi.u32 $0x6B1490AB, v28;
	v46 =	vor.u32 s28, v0;
	v3 =	vsub.s32 v58, v3;
	[tilespmem:$0x2598] =	vst v2  }
0x9d: {  	v2 =	vshrl.u32 v40, $0x1;
	[tilespmem:$0x25A8] =	vst v1;
	v1 =	vadd.s32 v38, v33;
	v5 =	vshrl.u32 v5, $0x8  }
0x9e: {  	v8 =	vadd.s32 v57, v8;
	v10 =	vadd.s32 v63, v10;
	v3 =	vmul.u32 $0x3, v3  }
0x9f: {  	v36 =	vld [tilespmem:$0x2248];
	v2 =	vadd.s32 v37, v2;
	v5 =	vmul.u32 $0x169, v5;
	v8 =	vshrl.u32 v8, $0x8  }
0xa0: {  	v23 =	vshrl.u32 v10, $0x8;
	v2 =	vshrl.u32 v2, $0x8;
	v8 =	vmul.u32 $0x169, v8  }
0xa1: {  	v25 =	vmul.u32 $0x169, v23;
	v3 =	vadd.s32 v3, v17;
	v2 =	vmul.u32 $0x169, v2  }
0xa2: {  	v54 =	vsub.s32 v45, v5;
	v5 =	vshrl.u32 v55, $0x1;
	[tilespmem:$0x2588] =	vst v3;
	v3 =	vmul.u32 $0x3, v39  }
0xa3: {  	[tilespmem:$0x2578] =	vst v4;
	v4 =	vmul.u32 $0x3, v54;
	v5 =	vadd.s32 v53, v5;
	v6 =	vsub.s32 v56, v8  }
0xa4: {  	[tilespmem:$0x25B8] =	vst v1;
	v5 =	vshrl.u32 v5, $0x8;
	v1 =	vadd.s32 v3, v36;
	v3 =	vsub.s32 v41, v42  }
0xa5: {  	s30 =	rddreg [dreg:$0x9];
	v2 =	vsub.s32 v34, v2;
	v5 =	vmul.u32 $0x169, v5;
	[tilespmem:$0x25C8] =	vst v1;
	v1 =	vshrl.u32 v3, $0x1  }
0xa6: {  	v2 =	vmul.u32 $0x3, v2;
	v3 =	vsub.s32 v43, v44;
	[tilespmem:s17], [sflag:$0x2] =	stream.indirect.gather [spmem:s2], $0x80, s30, s13, $0xb8;
	v1 =	vadd.s32 v42, v1;
	[tilespmem:$0x1A758] =	vst v63  }
0xa7: {  	v3 =	vshrl.u32 v3, $0x1;
	s30 =	sadd.s32 $0xFFFFFF70, s22;
	v5 =	vsub.s32 v52, v5;
	v47 =	vld [tilespmem:$0x2258];
	v1 =	vshrl.u32 v1, $0x8  }
0xa8: {  	v3 =	vadd.s32 v44, v3;
	v51 =	vld [tilespmem:$0x2288];
	v58 =	vor.u32 s30, v0;
	s30 =	sadd.s32 $0xFFFFFFB0, s22;
	v1 =	vmul.u32 $0x169, v1  }
0xa9: {  	v48 =	vld [tilespmem:$0x2268];
	v3 =	vshrl.u32 v3, $0x8;
	v59 =	vmulhi.u32 $0x6B1490AB, v58;
	v33 =	vor.u32 s30, v0  }
0xaa: {  	v50 =	vld [tilespmem:$0x2278];
	v3 =	vmul.u32 $0x169, v3;
	v34 =	vmulhi.u32 $0x6B1490AB, v33;
	v1 =	vsub.s32 v41, v1  }
0xab: {  	v19 =	vld [tilespmem:$0x2298];
	v5 =	vmul.u32 $0x3, v5;
	v62 =	vsub.s32 v58, v59;
	v1 =	vmul.u32 $0x3, v1  }
0xac: {  	v3 =	vsub.s32 v43, v3;
	v18 =	vshrl.u32 v62, $0x1;
	v36 =	vsub.s32 v33, v34  }
0xad: {  	v21 =	vld [tilespmem:$0x22A8];
	v3 =	vmul.u32 $0x3, v3;
	v2 =	vadd.s32 v2, v47;
	v4 =	vadd.s32 v4, v51  }
0xae: {  	v7 =	vadd.s32 v59, v18;
	v47 =	vmulhi.u32 $0x6B1490AB, v46;
	v1 =	vadd.s32 v1, v48;
	[tilespmem:$0x25D8] =	vst v2  }
0xaf: {  	v7 =	vshrl.u32 v7, $0x8;
	v2 =	vmul.u32 $0x3, v6;
	[tilespmem:$0x2608] =	vst v4;
	v4 =	vshrl.u32 v36, $0x1  }
0xb0: {  	v3 =	vadd.s32 v3, v50;
	v7 =	vmul.u32 $0x169, v7;
	[tilespmem:$0x25E8] =	vst v1;
	v1 =	vadd.s32 v5, v19  }
0xb1: {  	v4 =	vadd.s32 v34, v4;
	v50 =	vor.u32 s22, v0;
	v51 =	vsub.s32 v46, v47;
	[tilespmem:$0x25F8] =	vst v3  }
0xb2: {  	v27 =	vld [tilespmem:$0x22C8];
	v2 =	vadd.s32 v2, v21;
	v3 =	vsub.s32 v61, v25;
	[tilespmem:$0x2618] =	vst v1;
	v1 =	vsub.s32 v28, v29  }
0xb3: {  	s29 =	sadd.s32 $0xFFFFFFC0, s22;
	v22 =	vld [tilespmem:$0x22B8];
	v4 =	vshrl.u32 v4, $0x8;
	v52 =	vmulhi.u32 $0x6B1490AB, v50;
	v12 =	vshrl.u32 v51, $0x1  }
0xb4: {  	v24 =	vsub.s32 v58, v7;
	v3 =	vmul.u32 $0x3, v3;
	[tilespmem:$0x2628] =	vst v2;
	v2 =	vor.u32 s29, v0  }
0xb5: {  	v1 =	vshrl.u32 v1, $0x1;
	v4 =	vmul.u32 $0x169, v4;
	v9 =	vadd.s32 v47, v12  }
0xb6: {  	s29 =	sadd.s32 $0xFFFFFFF0, s22;
	v26 =	vmul.u32 $0x3, v24;
	v1 =	vadd.s32 v29, v1;
	v37 =	vmulhi.u32 $0x6B1490AB, v2  }
0xb7: {  	v48 =	vor.u32 s29, v0;
	v56 =	vsub.s32 v50, v52;
	v3 =	vadd.s32 v3, v27  }
0xb8: {  	s31 =	rddreg [dreg:$0xa];
	v9 =	vshrl.u32 v9, $0x8;
	v1 =	vshrl.u32 v1, $0x8;
	v30 =	vadd.s32 v26, v22;
	[tilespmem:$0x2648] =	vst v3  }
0xb9: {  	s30 =	rddreg [dreg:$0xb];
	v4 =	vsub.s32 v33, v4;
	v49 =	vmulhi.u32 $0x6B1490AB, v48;
	v14 =	vshrl.u32 v56, $0x1;
	[tilespmem:$0x2638] =	vst v30  }
0xba: {  	v9 =	vmul.u32 $0x169, v9;
	v3 =	vshrl.u32 v35, $0x1;
	v40 =	vsub.s32 v2, v37;
	[tilespmem:s30], [sflag:$0x2] =	stream.indirect.gather [spmem:s2], $0x80, s31, s13, $0xb8;
	[tilespmem:$0x1A758] =	vst v63  }
0xbb: {  	v1 =	vmul.u32 $0x169, v1;
	v4 =	vmul.u32 $0x3, v4;
	v11 =	vshrl.u32 v40, $0x1;
	s31 =	sadd.s32 $0xFFFFFFD0, s22  }
0xbc: {  	v13 =	vadd.s32 v52, v14;
	v42 =	vadd.s32 v37, v11;
	v43 =	vor.u32 s31, v0  }
0xbd: {  	v3 =	vadd.s32 v32, v3;
	v5 =	vshrl.u32 v42, $0x8;
	v44 =	vmulhi.u32 $0x6B1490AB, v43  }
0xbe: {  	v53 =	vsub.s32 v48, v49;
	v61 =	vshrl.u32 v13, $0x8;
	v5 =	vmul.u32 $0x169, v5  }
0xbf: {  	v3 =	vshrl.u32 v3, $0x8;
	v1 =	vsub.s32 v28, v1;
	v38 =	vld [tilespmem:$0x22D8];
	v45 =	vsub.s32 v43, v44  }
0xc0: {  	v3 =	vmul.u32 $0x169, v3;
	v39 =	vld [tilespmem:$0x22E8];
	v2 =	vsub.s32 v2, v5;
	v5 =	vshrl.u32 v45, $0x1  }
0xc1: {  	v55 =	vshrl.u32 v53, $0x1;
	v41 =	vld [tilespmem:$0x22F8];
	v1 =	vmul.u32 $0x3, v1;
	v5 =	vadd.s32 v44, v5  }
0xc2: {  	v54 =	vld [tilespmem:$0x2308];
	v7 =	vadd.s32 v49, v55;
	v3 =	vsub.s32 v31, v3;
	v5 =	vshrl.u32 v5, $0x8  }
0xc3: {  	v57 =	vld [tilespmem:$0x2318];
	v7 =	vshrl.u32 v7, $0x8;
	v3 =	vmul.u32 $0x3, v3;
	v5 =	vmul.u32 $0x169, v5  }
0xc4: {  	v58 =	vld [tilespmem:$0x2328];
	v59 =	vmul.u32 $0x169, v7;
	v7 =	vmul.u32 $0x169, v61;
	v1 =	vadd.s32 v1, v38  }
0xc5: {  	v60 =	vld [tilespmem:$0x2338];
	v2 =	vmul.u32 $0x3, v2;
	v3 =	vadd.s32 v3, v39;
	[tilespmem:$0x2658] =	vst v1;
	v1 =	vsub.s32 v43, v5  }
0xc6: {  	v62 =	vld [tilespmem:$0x2348];
	v4 =	vadd.s32 v4, v41;
	[tilespmem:$0x2668] =	vst v3;
	v3 =	vsub.s32 v46, v9;
	v1 =	vmul.u32 $0x3, v1  }
0xc7: {  	v63 =	vsub.s32 v48, v59;
	[tilespmem:$0x2678] =	vst v4;
	v2 =	vadd.s32 v2, v54;
	v3 =	vmul.u32 $0x3, v3  }
0xc8: {  	v4 =	vmul.u32 $0x3, v63;
	[tilespmem:$0x2688] =	vst v2;
	v2 =	vsub.s32 v50, v7;
	v1 =	vadd.s32 v1, v57  }
0xc9: {  	v2 =	vmul.u32 $0x3, v2;
	[tilespmem:$0x2698] =	vst v1;
	v1 =	vadd.s32 v3, v58  }
0xca: {  	[tilespmem:$0x26A8] =	vst v1;
	v1 =	vadd.s32 v4, v60  }
0xcb: {  	s30 =	rddreg [dreg:$0xc];
	[tilespmem:$0x26B8] =	vst v1;
	v1 =	vadd.s32 v2, v62  }
0xcc: {  	s31 =	rddreg [dreg:$0xd];
	[tilespmem:$0x26C8] =	vst v1  }
0xcd: {  	[tilespmem:s31], [sflag:$0x2] =	stream.indirect.gather [spmem:s2], $0x80, s30, s13, $0xb8;
	[tilespmem:$0x1A758] =	vst v63  }
0xce: {  	_ =	swait.ge [sflag:s18], $0x4000  }
0xcf: {  	[sflag:s18] =	ssyncset.done $0x0  }
0xd0: {  	[sflag:s18] =	ssyncadd.s32 $0xFFFFC000  }
0xd1: {  	_ =	swait.ge [sflag:s18], $0x4000  }
0xd2: {  	s22 =	sadd.s32 $0x300, s22;
	[sflag:s18] =	ssyncset.done $0x0  }
0xd3: {  	p1 =	sne.s32 s22, $0xB6F0;
	[sflag:s18] =	ssyncadd.s32 $0xFFFFC000  }
.Ltmp0:
0xd4: {  	_ =	swait.ge [sflag:s18], $0x4000;
	(pc) =	sbr.rel @p1 .LBB2_2-.Ltmp0, $4  }
0xd5: {  	[sflag:s18] =	ssyncset.done $0x0  }
0xd6: {  	[sflag:s18] =	ssyncadd.s32 $0xFFFFC000  }
0xd7: {  	[hbm4b:s25+s3] =	stream.linear.scatter [tilespmem:s17], [sflag:$0x4], $0xC000, $0x38;
	[tilespmem:$0x1A758] =	vst v63  }
0xd8: {  	s23 =	sadd.s32 $0x60, s23;
	s24 =	sadd.s32 $0x60, s24;
	s25 =	sadd.s32 $0x3000, s25  }
0xd9: {  	_ =	swait.ge [sflag:s19], $0xC000  }
0xda: {  	[sflag:s19] =	ssyncset.done $0x0  }
0xdb: {  	[sflag:s19] =	ssyncadd.s32 $0xFFFF4000  }
0xdc: {  	_ =	swait.ge [sflag:s20], $0xC000  }
0xdd: {  	[sflag:s20] =	ssyncset.done $0x0  }
0xde: {  	[sflag:s20] =	ssyncadd.s32 $0xFFFF4000  }
0xdf: {  	[tilespmem:s11], [sflag:$0x5] =	stream.linear.gather [hbm4b:s4+s3], $0x80, $0x38;
	[tilespmem:$0x1A758] =	vst v63  }
0xe0: {  	_ =	swait.ge [sflag:s12], $0x80  }
0xe1: {  	[sflag:s12] =	ssyncset.done $0x0  }
0xe2: {  	[sflag:s12] =	ssyncadd.s32 $0xFFFFFF80  }
0xe3: {  	v1 =	vld [tilespmem:$0x21D8]  }
0xe4: {  	v2 =	vld [tilespmem:$0x21E8]  }
0xe5: {  	v3 =	vmul.u32 $0x3, v0;
	v4 =	vld [tilespmem:$0x21F8]  }
0xe6: {  	v5 =	vld [tilespmem:$0x2208]  }
0xe7: {  	v6 =	vadd.s32 $0x2BB, v3;
	v7 =	vld [tilespmem:$0x2218]  }
0xe8: {  	v61 =	vadd.s32 $0x2EB, v3;
	v8 =	vld [tilespmem:$0x2228];
	v1 =	vadd.s32 v6, v1  }
0xe9: {  	v62 =	vld [tilespmem:$0x2238];
	[tilespmem:$0x2358] =	vst v1;
	v1 =	vadd.s32 v61, v2;
	v2 =	vadd.s32 $0x31B, v3  }
0xea: {  	v63 =	vld [tilespmem:$0x2248];
	[tilespmem:$0x2368] =	vst v1;
	v1 =	vadd.s32 v2, v4;
	v2 =	vadd.s32 $0x34B, v3  }
0xeb: {  	[tilespmem:$0x2378] =	vst v1;
	v1 =	vadd.s32 v2, v5;
	v2 =	vadd.s32 $0x37B, v3  }
0xec: {  	[tilespmem:$0x2388] =	vst v1;
	v1 =	vadd.s32 v2, v7;
	v2 =	vadd.s32 $0x3AB, v3  }
0xed: {  	[tilespmem:$0x2398] =	vst v1;
	v1 =	vadd.s32 v2, v8;
	v2 =	vadd.s32 $0x3DB, v3  }
0xee: {  	[tilespmem:$0x23A8] =	vst v1;
	v1 =	vadd.s32 v2, v62;
	v2 =	vadd.s32 $0x40B, v3  }
0xef: {  	[tilespmem:$0x23B8] =	vst v1;
	v1 =	vadd.s32 v2, v63  }
0xf0: {  	[tilespmem:$0x23C8] =	vst v1  }
0xf1: {  	[tilespmem:s15], [sflag:$0x1] =	stream.indirect.gather [spmem:s2], $0x80, s14, s13, $0xb8;
	[tilespmem:$0x1A758] =	vst v63  }
0xf2: {  	s21 =	sadd.s32 $0x1, s21;
	_ =	swait.ge [sflag:s16], $0x4000  }
0xf3: {  	p1 =	sne.s32 s21, s6;
	[sflag:s16] =	ssyncset.done $0x0  }
.Ltmp1:
0xf4: {  	[sflag:s16] =	ssyncadd.s32 $0xFFFFC000;
	(pc) =	sbr.rel @p1 .LBB2_1-.Ltmp1, $4  }
0xf5: {  	[hbm4b:s5+s3] =	stream.linear.scatter [tilespmem:s15], [sflag:$0x5], $0x4000, $0x38;
	[tilespmem:$0x1A758] =	vst v63  }
0xf6: {  	_ =	swait.ge [sflag:s12], $0x4000  }
0xf7: {  	[sflag:s12] =	ssyncset.done $0x0  }
0xf8: {  	[sflag:s12] =	ssyncadd.s32 $0xFFFFC000  }
0xf9: {  	_ =	sfence.sel $0x180000  }
0xfa: {  	[bflag:$0x0] =	sbarrier.arrive $0xFFFF  }
0xfb: {  	_ =	strace $0x90000047  }
0xfc: {  	s0 =	sadd.s32 @!p0 $0x100000, s1;
	[bflag:$0x2] =	sbarrier.arrive $0xFFFF  }
0xfd: {  	[sflag:s0] =	ssyncadd.tile.s32 @!p0 $0x1;
	_ =	shalt  }
.Lfunc_end2:
_tile_overlayer_lowered:
.L_overlay_start_2:
0xfe: {  	(tag) =	ssettag $0x2  }
0xff: {  	s0 =	rddreg [dreg:$0x0];
	s2 =	stileid.u32  }
0x100: {  	s1 =	rddreg [dreg:$0x1];
	p0 =	sne.s32 s2, $0x0  }
0x101: {  	s3 =	rddreg [dreg:$0x2];
	[bflag:$0x3] =	sbarrier.arrive $0xFFFF;
	s2 =	simm.s32 @!p0 $0x1C05  }
0x102: {  	[timem:s3], [sflag:s2] =	dma.local @!p0 [hbm:s0], s1  }
0x103: {  	s0 =	simm.s32 @!p0 $0x5  }
0x104: {  	_ =	swait.ge @!p0 [sflag:s0], s1  }
0x105: {  	s1 =	ssub.s32 @!p0 $0x0, s1;
	[sflag:s0] =	ssyncset.done @!p0 $0x0  }
0x106: {  	[sflag:s0] =	ssyncadd.s32 @!p0 s1  }
0x107: {  	[bflag:$0x3] =	sbarrier.arrive $0xFFFF  }
0x108: {  	_ =	shalt  }

</sc_bundles>
